<compile_context>
chip_gen: v7x
topology: tpu7x:2x2x1
jax: 0.10.2.dev20260603
libtpu: 0.0.44.dev20260713+nightly
codegen_flags: <defaults>
</compile_context>

<pallas_src>
import jax
import jax.numpy as jnp
from jax import lax
from jax.experimental import pallas as pl
from jax.experimental.pallas import tpu as pltpu
from jax.experimental.pallas import tpu_sc as plsc

B, S, D, L = 1024, 512, 256, 50
NC, NS, LANES = 2, 16, 16
NW = NC * NS
RPW = B // NW
GROUPS = RPW // LANES
DV = D // LANES


def _sc_body(cn_hbm, enc_hbm, mask_hbm, sib_hbm, out_hbm,
             mask_v, sib_v, cn_v, rows_v, idx_v, mfac_v,
             sem_in, sem_sib, sem_cn, sem_g0, sem_g1, sem_out):
    wid = lax.axis_index("c") * NS + lax.axis_index("s")
    base = wid * RPW

    cblock = pl.multiple_of(wid // 4 * 128, 128)
    ccol = wid % 4 * 128 // 4
    csl = pl.ds(cblock, 128)
    c_mask = pltpu.async_copy(mask_hbm.at[:, csl], mask_v, sem_in)
    c_sib = pltpu.async_copy(sib_hbm.at[:, csl], sib_v, sem_sib)
    c_cn = pltpu.async_copy(cn_hbm.at[pl.ds(base, RPW)], cn_v, sem_cn)
    c_mask.wait()

    lane = lax.iota(jnp.int32, LANES)
    sem_gs = [sem_g0, sem_g1]
    gathers = []
    for g in range(GROUPS):
        sl = pl.ds(g * LANES, LANES)
        j = lane + g * LANES
        cols = ccol + j

        def msum(i, acc):
            l0 = i * 5
            for k in range(5):
                acc = acc + plsc.load_gather(
                    mask_v, [jnp.full((LANES,), l0 + k, jnp.int32), cols])
            return acc

        n = lax.fori_loop(0, L // 5, msum, jnp.zeros((LANES,), jnp.int32))
        last = jnp.clip(n - 1, 0, L - 1)
        if g == 0:
            c_sib.wait()
        sib = plsc.load_gather(sib_v, [last, cols])
        idx_v[sl] = (base + j) * S + sib
        mfac_v[sl] = (n != 0).astype(jnp.float32)
        gathers.append(pltpu.async_copy(
            enc_hbm.at[idx_v.at[sl]], rows_v.at[sl], sem_gs[g]))

    c_cn.wait()
    outs = []
    for g in range(GROUPS):
        gathers[g].wait()

        def combine(r, carry):
            mrow = plsc.load_gather(mfac_v, [jnp.full((LANES,), r, jnp.int32)])
            for d in range(DV):
                dsl = pl.ds(d * LANES, LANES)
                rows_v[r, dsl] = cn_v[r, dsl] + mrow * rows_v[r, dsl]
            return carry

        lax.fori_loop(g * LANES, (g + 1) * LANES, combine, 0)
        sl = pl.ds(g * LANES, LANES)
        outs.append(pltpu.async_copy(
            rows_v.at[sl], out_hbm.at[pl.ds(base + g * LANES, LANES)], sem_out))
    for c in outs:
        c.wait()


def kernel(current_node, encoded_input, siblings, siblings_mask):
    enc2 = encoded_input.reshape(B * S, D)
    mask_w = siblings_mask.T.astype(jnp.int32)
    sib_w = siblings.astype(jnp.int32).T

    run = pl.kernel(
        _sc_body,
        out_type=jax.ShapeDtypeStruct((B, D), jnp.float32),
        mesh=plsc.VectorSubcoreMesh(core_axis_name="c", subcore_axis_name="s"),
        compiler_params=pltpu.CompilerParams(
            needs_layout_passes=False, use_tc_tiling_on_sc=True),
        scratch_types=[
            pltpu.VMEM((L, 128), jnp.int32),
            pltpu.VMEM((L, 128), jnp.int32),
            pltpu.VMEM((RPW, D), jnp.float32),
            pltpu.VMEM((RPW, D), jnp.float32),
            pltpu.VMEM((RPW,), jnp.int32),
            pltpu.VMEM((RPW,), jnp.float32),
            pltpu.SemaphoreType.DMA,
            pltpu.SemaphoreType.DMA,
            pltpu.SemaphoreType.DMA,
            pltpu.SemaphoreType.DMA,
            pltpu.SemaphoreType.DMA,
            pltpu.SemaphoreType.DMA,
        ],
    )
    return run(current_node, enc2, mask_w, sib_w)

# --- scband reference (transcript-rebuilt; emitter-appended) ---
"""Pipeline reference for scband-most-recent-42795054137718 (READ-ONLY COPY).

The authoritative reference and input builder live on the scoring server;
editing this copy changes nothing except your own understanding.
"""

import jax, jax.numpy as jnp
import numpy as np

B, S, D, L = 1024, 512, 256, 50

def setup_inputs(seed: int = 0) -> dict:
    key = jax.random.key(seed)
    k1, k2, k3, k4 = jax.random.split(key, 4)
    current_node = jax.random.normal(k1, (B, D), dtype=jnp.float32)
    encoded_input = jax.random.normal(k2, (B, S, D), dtype=jnp.float32)
    siblings = jax.random.randint(k3, (B, L), 0, S, dtype=jnp.int64)
    siblings_mask = jax.random.randint(k4, (B, L), 0, 2, dtype=jnp.int32).astype(jnp.bool_)
    return {"current_node": current_node, "encoded_input": encoded_input, "siblings": siblings, "siblings_mask": siblings_mask}


def reference(current_node, encoded_input, siblings, siblings_mask):
    # get_lengths_from_binary_sequence_mask: sum over last dim
    number_of_siblings = jnp.sum(siblings_mask.astype(jnp.int32), axis=1)  # (B,)
    batch_idx = jnp.arange(siblings.shape[0])
    # torch: siblings[range(B), lengths-1]; when lengths==0 the row is zeroed below,
    # so clamp the index to a valid range (matches masked-out semantics)
    last_idx = jnp.clip(number_of_siblings - 1, 0, siblings.shape[1] - 1)
    most_recent_sibling = siblings[batch_idx, last_idx]  # (B,) indices into seq dim
    encoded_sibling = encoded_input[batch_idx, most_recent_sibling]  # (B, D) gather
    encoded_sibling = (number_of_siblings != 0).astype(encoded_sibling.dtype)[:, None] * encoded_sibling
    return current_node + encoded_sibling

if __name__ == "__main__":
    import jax
    _d = setup_inputs()
    print(jax.jit(kernel)(*tuple(_d.values())))

</pallas_src>

<mosaic_0001>
#map = affine_map<(d0, d1) -> (0, 0)>
module attributes {stable_mosaic.version = 14 : i64} {
  func.func @_sc_body(%arg0: i32, %arg1: i32, %arg2: memref<1024x256xf32, #tpu.memory_space<hbm>>, %arg3: memref<524288x256xf32, #tpu.memory_space<hbm>>, %arg4: memref<50x1024xi32, #tpu.memory_space<hbm>>, %arg5: memref<50x1024xi32, #tpu.memory_space<hbm>>, %arg6: memref<1024x256xf32, #tpu.memory_space<hbm>>, %arg7: memref<50x128xi32, #tpu.memory_space<vmem>>, %arg8: memref<50x128xi32, #tpu.memory_space<vmem>>, %arg9: memref<32x256xf32, #tpu.memory_space<vmem>>, %arg10: memref<32x256xf32, #tpu.memory_space<vmem>>, %arg11: memref<32xi32, #tpu.memory_space<vmem>>, %arg12: memref<32xf32, #tpu.memory_space<vmem>>, %arg13: memref<!tpu.dma_semaphore, #tpu.memory_space<semaphore_mem>>, %arg14: memref<!tpu.dma_semaphore, #tpu.memory_space<semaphore_mem>>, %arg15: memref<!tpu.dma_semaphore, #tpu.memory_space<semaphore_mem>>, %arg16: memref<!tpu.dma_semaphore, #tpu.memory_space<semaphore_mem>>, %arg17: memref<!tpu.dma_semaphore, #tpu.memory_space<semaphore_mem>>, %arg18: memref<!tpu.dma_semaphore, #tpu.memory_space<semaphore_mem>>) attributes {dimension_semantics = [#tpu.dimension_semantics<core_parallel>, #tpu.dimension_semantics<subcore_parallel>], iteration_bounds = array<i64: 2, 16>, scalar_prefetch = 0 : i64, scratch_operands = 12 : i64, tpu.core_type = #tpu.core_type<sc_vector_subcore>, window_params = [{transform_indices = #map}, {transform_indices = #map}, {transform_indices = #map}, {transform_indices = #map}, {transform_indices = #map}]} {
    %mul3A = arith.constant 16 : i32
    %mul3A_0 = arith.muli %arg0, %mul3A : i32
    %add3A = arith.addi %mul3A_0, %arg1 : i32
    %mul3A_1 = arith.constant 32 : i32
    %mul3A_2 = arith.muli %add3A, %mul3A_1 : i32
    %jit3A = arith.constant 4 : i32
    %div3A = arith.divsi %add3A, %jit3A : i32
    %sign3A = arith.constant 0 : i32
    %sign3A_3 = arith.cmpi sgt, %add3A, %sign3A : i32
    %sign3A_4 = arith.extui %sign3A_3 : i1 to i32
    %sign3A_5 = arith.constant 0 : i32
    %sign3A_6 = arith.cmpi slt, %add3A, %sign3A_5 : i32
    %sign3A_7 = arith.extui %sign3A_6 : i1 to i32
    %sign3A_8 = arith.subi %sign3A_4, %sign3A_7 : i32
    %sign3A_9 = arith.constant 0 : i32
    %sign3A_10 = arith.cmpi sgt, %jit3A, %sign3A_9 : i32
    %sign3A_11 = arith.extui %sign3A_10 : i1 to i32
    %sign3A_12 = arith.constant 0 : i32
    %sign3A_13 = arith.cmpi slt, %jit3A, %sign3A_12 : i32
    %sign3A_14 = arith.extui %sign3A_13 : i1 to i32
    %sign3A_15 = arith.subi %sign3A_11, %sign3A_14 : i32
    %ne3A = arith.cmpi ne, %sign3A_8, %sign3A_15 : i32
    %rem3A = arith.remsi %add3A, %jit3A : i32
    %ne3A_16 = arith.constant 0 : i32
    %ne3A_17 = arith.cmpi ne, %rem3A, %ne3A_16 : i32
    %and3A = arith.andi %ne3A, %ne3A_17 : i1
    %sub3A = arith.constant 1 : i32
    %sub3A_18 = arith.subi %div3A, %sub3A : i32
    %select_n3A = arith.select %and3A, %sub3A_18, %div3A : i32
    %mul3A_19 = arith.constant 128 : i32
    %mul3A_20 = arith.muli %select_n3A, %mul3A_19 : i32
    %multiple_of3A = tpu.assume_multiple %mul3A_20, 128 : i32
    %jit3A_21 = arith.constant 4 : i32
    %eq3A = arith.constant 0 : i32
    %eq3A_22 = arith.cmpi eq, %jit3A_21, %eq3A : i32
    %jit3A_23 = arith.constant 1 : i32
    %select_n3A_24 = arith.select %eq3A_22, %jit3A_23, %jit3A_21 : i32
    %rem3A_25 = arith.remsi %add3A, %select_n3A_24 : i32
    %ne3A_26 = arith.constant 0 : i32
    %ne3A_27 = arith.cmpi ne, %rem3A_25, %ne3A_26 : i32
    %lt3A = arith.constant 0 : i32
    %lt3A_28 = arith.cmpi slt, %rem3A_25, %lt3A : i32
    %lt3A_29 = arith.constant 0 : i32
    %lt3A_30 = arith.cmpi slt, %select_n3A_24, %lt3A_29 : i32
    %ne3A_31 = arith.xori %lt3A_28, %lt3A_30 : i1
    %and3A_32 = arith.andi %ne3A_31, %ne3A_27 : i1
    %add3A_33 = arith.addi %rem3A_25, %select_n3A_24 : i32
    %select_n3A_34 = arith.select %and3A_32, %add3A_33, %rem3A_25 : i32
    %mul3A_35 = arith.constant 128 : i32
    %mul3A_36 = arith.muli %select_n3A_34, %mul3A_35 : i32
    %jit3A_37 = arith.constant 4 : i32
    %div3A_38 = arith.divsi %mul3A_36, %jit3A_37 : i32
    %sign3A_39 = arith.constant 0 : i32
    %sign3A_40 = arith.cmpi sgt, %mul3A_36, %sign3A_39 : i32
    %sign3A_41 = arith.extui %sign3A_40 : i1 to i32
    %sign3A_42 = arith.constant 0 : i32
    %sign3A_43 = arith.cmpi slt, %mul3A_36, %sign3A_42 : i32
    %sign3A_44 = arith.extui %sign3A_43 : i1 to i32
    %sign3A_45 = arith.subi %sign3A_41, %sign3A_44 : i32
    %sign3A_46 = arith.constant 0 : i32
    %sign3A_47 = arith.cmpi sgt, %jit3A_37, %sign3A_46 : i32
    %sign3A_48 = arith.extui %sign3A_47 : i1 to i32
    %sign3A_49 = arith.constant 0 : i32
    %sign3A_50 = arith.cmpi slt, %jit3A_37, %sign3A_49 : i32
    %sign3A_51 = arith.extui %sign3A_50 : i1 to i32
    %sign3A_52 = arith.subi %sign3A_48, %sign3A_51 : i32
    %ne3A_53 = arith.cmpi ne, %sign3A_45, %sign3A_52 : i32
    %rem3A_54 = arith.remsi %mul3A_36, %jit3A_37 : i32
    %ne3A_55 = arith.constant 0 : i32
    %ne3A_56 = arith.cmpi ne, %rem3A_54, %ne3A_55 : i32
    %and3A_57 = arith.andi %ne3A_53, %ne3A_56 : i1
    %sub3A_58 = arith.constant 1 : i32
    %sub3A_59 = arith.subi %div3A_38, %sub3A_58 : i32
    %select_n3A_60 = arith.select %and3A_57, %sub3A_59, %div3A_38 : i32
    %dma_start3A = arith.constant 0 : i32
    %dma_start3A_61 = tpu.memref_slice %arg4[%dma_start3A, %multiple_of3A] : memref<50x1024xi32, #tpu.memory_space<hbm>> -> memref<50x128xi32, #tpu.memory_space<hbm>>
    %dma_start3A_62 = arith.constant 0 : i32
    %dma_start3A_63 = tpu.memref_slice %arg4[%dma_start3A_62, %multiple_of3A] : memref<50x1024xi32, #tpu.memory_space<hbm>> -> memref<50x128xi32, #tpu.memory_space<hbm>>
    tpu.enqueue_dma source(%dma_start3A_63 : memref<50x128xi32, #tpu.memory_space<hbm>>) target(%arg7 : memref<50x128xi32, #tpu.memory_space<vmem>>) target_semaphore(%arg13 : memref<!tpu.dma_semaphore, #tpu.memory_space<semaphore_mem>>)
    %dma_start3A_64 = arith.constant 0 : i32
    %dma_start3A_65 = tpu.memref_slice %arg5[%dma_start3A_64, %multiple_of3A] : memref<50x1024xi32, #tpu.memory_space<hbm>> -> memref<50x128xi32, #tpu.memory_space<hbm>>
    %dma_start3A_66 = arith.constant 0 : i32
    %dma_start3A_67 = tpu.memref_slice %arg5[%dma_start3A_66, %multiple_of3A] : memref<50x1024xi32, #tpu.memory_space<hbm>> -> memref<50x128xi32, #tpu.memory_space<hbm>>
    tpu.enqueue_dma source(%dma_start3A_67 : memref<50x128xi32, #tpu.memory_space<hbm>>) target(%arg8 : memref<50x128xi32, #tpu.memory_space<vmem>>) target_semaphore(%arg14 : memref<!tpu.dma_semaphore, #tpu.memory_space<semaphore_mem>>)
    %dma_start3A_68 = arith.constant 0 : i32
    %dma_start3A_69 = tpu.memref_slice %arg2[%mul3A_2, %dma_start3A_68] : memref<1024x256xf32, #tpu.memory_space<hbm>> -> memref<32x256xf32, #tpu.memory_space<hbm>>
    %dma_start3A_70 = arith.constant 0 : i32
    %dma_start3A_71 = tpu.memref_slice %arg2[%mul3A_2, %dma_start3A_70] : memref<1024x256xf32, #tpu.memory_space<hbm>> -> memref<32x256xf32, #tpu.memory_space<hbm>>
    tpu.enqueue_dma source(%dma_start3A_71 : memref<32x256xf32, #tpu.memory_space<hbm>>) target(%arg9 : memref<32x256xf32, #tpu.memory_space<vmem>>) target_semaphore(%arg15 : memref<!tpu.dma_semaphore, #tpu.memory_space<semaphore_mem>>)
    %dma_wait3A = arith.constant 0 : i32
    %dma_wait3A_72 = tpu.memref_slice %arg4[%dma_wait3A, %multiple_of3A] : memref<50x1024xi32, #tpu.memory_space<hbm>> -> memref<50x128xi32, #tpu.memory_space<hbm>>
    %dma_wait3A_73 = arith.constant 0 : i32
    %dma_wait3A_74 = tpu.memref_slice %arg4[%dma_wait3A_73, %multiple_of3A] : memref<50x1024xi32, #tpu.memory_space<hbm>> -> memref<50x128xi32, #tpu.memory_space<hbm>>
    tpu.wait_dma2 semaphore(%arg13 : memref<!tpu.dma_semaphore, #tpu.memory_space<semaphore_mem>>) src(%dma_wait3A_74 : memref<50x128xi32, #tpu.memory_space<hbm>>) dst(%arg7 : memref<50x128xi32, #tpu.memory_space<vmem>>)
    %iota3A = tpu.iota {dimensions = array<i32: 0>} : vector<16xi32>
    %add3A_75 = arith.constant 0 : i32
    %add3A_76 = vector.broadcast %add3A_75 : i32 to vector<16xi32>
    %add3A_77 = arith.addi %iota3A, %add3A_76 : vector<16xi32>
    %add3A_78 = vector.broadcast %select_n3A_60 : i32 to vector<16xi32>
    %add3A_79 = arith.addi %add3A_78, %add3A_77 : vector<16xi32>
    %broadcast_in_dim3A = arith.constant 0 : i32
    %broadcast_in_dim3A_80 = vector.broadcast %broadcast_in_dim3A : i32 to vector<16xi32>
    %scan3A = arith.constant 0 : i32
    %scan3A_81 = arith.constant 10 : i32
    %scan3A_82 = arith.addi %scan3A, %scan3A_81 : i32
    %scan3A_83 = arith.constant 1 : i32
    %scan3A_84 = scf.for %scan3A_240 = %scan3A to %scan3A_82 step %scan3A_83 iter_args(%scan3A_241 = %broadcast_in_dim3A_80) -> (vector<16xi32>)  : i32 {
      %mul3A_242 = arith.constant 5 : i32
      %mul3A_243 = arith.muli %scan3A_240, %mul3A_242 : i32
      %add3A_244 = arith.constant 0 : i32
      %add3A_245 = arith.addi %mul3A_243, %add3A_244 : i32
      %broadcast_in_dim3A_246 = vector.broadcast %add3A_245 : i32 to vector<16xi32>
      %gather3A_247 = tpu.vector_load_idx %arg7[%broadcast_in_dim3A_246, %add3A_79] : memref<50x128xi32, #tpu.memory_space<vmem>>[vector<16xi32>, vector<16xi32>], vector<16xi32>,
      %add3A_248 = arith.addi %scan3A_241, %gather3A_247 : vector<16xi32>
      %add3A_249 = arith.constant 1 : i32
      %add3A_250 = arith.addi %mul3A_243, %add3A_249 : i32
      %broadcast_in_dim3A_251 = vector.broadcast %add3A_250 : i32 to vector<16xi32>
      %gather3A_252 = tpu.vector_load_idx %arg7[%broadcast_in_dim3A_251, %add3A_79] : memref<50x128xi32, #tpu.memory_space<vmem>>[vector<16xi32>, vector<16xi32>], vector<16xi32>,
      %add3A_253 = arith.addi %add3A_248, %gather3A_252 : vector<16xi32>
      %add3A_254 = arith.constant 2 : i32
      %add3A_255 = arith.addi %mul3A_243, %add3A_254 : i32
      %broadcast_in_dim3A_256 = vector.broadcast %add3A_255 : i32 to vector<16xi32>
      %gather3A_257 = tpu.vector_load_idx %arg7[%broadcast_in_dim3A_256, %add3A_79] : memref<50x128xi32, #tpu.memory_space<vmem>>[vector<16xi32>, vector<16xi32>], vector<16xi32>,
      %add3A_258 = arith.addi %add3A_253, %gather3A_257 : vector<16xi32>
      %add3A_259 = arith.constant 3 : i32
      %add3A_260 = arith.addi %mul3A_243, %add3A_259 : i32
      %broadcast_in_dim3A_261 = vector.broadcast %add3A_260 : i32 to vector<16xi32>
      %gather3A_262 = tpu.vector_load_idx %arg7[%broadcast_in_dim3A_261, %add3A_79] : memref<50x128xi32, #tpu.memory_space<vmem>>[vector<16xi32>, vector<16xi32>], vector<16xi32>,
      %add3A_263 = arith.addi %add3A_258, %gather3A_262 : vector<16xi32>
      %add3A_264 = arith.constant 4 : i32
      %add3A_265 = arith.addi %mul3A_243, %add3A_264 : i32
      %broadcast_in_dim3A_266 = vector.broadcast %add3A_265 : i32 to vector<16xi32>
      %gather3A_267 = tpu.vector_load_idx %arg7[%broadcast_in_dim3A_266, %add3A_79] : memref<50x128xi32, #tpu.memory_space<vmem>>[vector<16xi32>, vector<16xi32>], vector<16xi32>,
      %add3A_268 = arith.addi %add3A_263, %gather3A_267 : vector<16xi32>
      scf.yield %add3A_268 : vector<16xi32>
    }
    %scan3A_85 = arith.constant 10 : i32
    %sub3A_86 = arith.constant 1 : i32
    %sub3A_87 = vector.broadcast %sub3A_86 : i32 to vector<16xi32>
    %sub3A_88 = arith.subi %scan3A_84, %sub3A_87 : vector<16xi32>
    %jit3A_89 = arith.constant 0 : i32
    %jit3A_90 = arith.constant 49 : i32
    %max3A = vector.broadcast %jit3A_89 : i32 to vector<16xi32>
    %max3A_91 = arith.maxsi %max3A, %sub3A_88 : vector<16xi32>
    %min3A = vector.broadcast %jit3A_90 : i32 to vector<16xi32>
    %min3A_92 = arith.minsi %min3A, %max3A_91 : vector<16xi32>
    %dma_wait3A_93 = arith.constant 0 : i32
    %dma_wait3A_94 = tpu.memref_slice %arg5[%dma_wait3A_93, %multiple_of3A] : memref<50x1024xi32, #tpu.memory_space<hbm>> -> memref<50x128xi32, #tpu.memory_space<hbm>>
    %dma_wait3A_95 = arith.constant 0 : i32
    %dma_wait3A_96 = tpu.memref_slice %arg5[%dma_wait3A_95, %multiple_of3A] : memref<50x1024xi32, #tpu.memory_space<hbm>> -> memref<50x128xi32, #tpu.memory_space<hbm>>
    tpu.wait_dma2 semaphore(%arg14 : memref<!tpu.dma_semaphore, #tpu.memory_space<semaphore_mem>>) src(%dma_wait3A_96 : memref<50x128xi32, #tpu.memory_space<hbm>>) dst(%arg8 : memref<50x128xi32, #tpu.memory_space<vmem>>)
    %gather3A = tpu.vector_load_idx %arg8[%min3A_92, %add3A_79] : memref<50x128xi32, #tpu.memory_space<vmem>>[vector<16xi32>, vector<16xi32>], vector<16xi32>,
    %add3A_97 = vector.broadcast %mul3A_2 : i32 to vector<16xi32>
    %add3A_98 = arith.addi %add3A_97, %add3A_77 : vector<16xi32>
    %mul3A_99 = arith.constant 512 : i32
    %mul3A_100 = vector.broadcast %mul3A_99 : i32 to vector<16xi32>
    %mul3A_101 = arith.muli %add3A_98, %mul3A_100 : vector<16xi32>
    %add3A_102 = arith.addi %mul3A_101, %gather3A : vector<16xi32>
    %swap3A = arith.constant 0 : index
    %swap3A_103 = tpu.vector_load %arg11[%swap3A] {strides = array<i32>} : memref<32xi32, #tpu.memory_space<vmem>>, vector<16xi32>,
    tpu.vector_store %arg11[%swap3A], %add3A_102 {strides = array<i32>} : memref<32xi32, #tpu.memory_space<vmem>>, vector<16xi32>,
    %ne3A_104 = arith.constant 0 : i32
    %ne3A_105 = vector.broadcast %ne3A_104 : i32 to vector<16xi32>
    %ne3A_106 = arith.cmpi ne, %scan3A_84, %ne3A_105 : vector<16xi32>
    %convert_element_type3A = arith.extui %ne3A_106 : vector<16xi1> to vector<16xi32>
    %convert_element_type3A_107 = arith.sitofp %convert_element_type3A : vector<16xi32> to vector<16xf32>
    %swap3A_108 = arith.constant 0 : index
    %swap3A_109 = tpu.vector_load %arg12[%swap3A_108] {strides = array<i32>} : memref<32xf32, #tpu.memory_space<vmem>>, vector<16xf32>,
    tpu.vector_store %arg12[%swap3A_108], %convert_element_type3A_107 {strides = array<i32>} : memref<32xf32, #tpu.memory_space<vmem>>, vector<16xf32>,
    %dma_start3A_110 = arith.constant 0 : i32
    %dma_start3A_111 = arith.constant 0 : i32
    %dma_start3A_112 = tpu.memref_slice %arg10[%dma_start3A_110, %dma_start3A_111] : memref<32x256xf32, #tpu.memory_space<vmem>> -> memref<16x256xf32, #tpu.memory_space<vmem>>
    %dma_start3A_113 = arith.constant 0 : i32
    %dma_start3A_114 = tpu.memref_slice %arg11[%dma_start3A_113] : memref<32xi32, #tpu.memory_space<vmem>> -> memref<16xi32, #tpu.memory_space<vmem>>
    %dma_start3A_115 = arith.constant 0 : i32
    %dma_start3A_116 = arith.constant 0 : i32
    %dma_start3A_117 = tpu.memref_slice %arg3[%dma_start3A_115, %dma_start3A_116] : memref<524288x256xf32, #tpu.memory_space<hbm>> -> memref<524288x256xf32, #tpu.memory_space<hbm>>
    tpu.enqueue_indirect_dma source(%dma_start3A_117 : memref<524288x256xf32, #tpu.memory_space<hbm>>) target(%dma_start3A_112 : memref<16x256xf32, #tpu.memory_space<vmem>>) offsets(%dma_start3A_114 : memref<16xi32, #tpu.memory_space<vmem>>) semaphore(%arg16 : memref<!tpu.dma_semaphore, #tpu.memory_space<semaphore_mem>>)
    %add3A_118 = arith.constant 16 : i32
    %add3A_119 = vector.broadcast %add3A_118 : i32 to vector<16xi32>
    %add3A_120 = arith.addi %iota3A, %add3A_119 : vector<16xi32>
    %add3A_121 = vector.broadcast %select_n3A_60 : i32 to vector<16xi32>
    %add3A_122 = arith.addi %add3A_121, %add3A_120 : vector<16xi32>
    %broadcast_in_dim3A_123 = arith.constant 0 : i32
    %broadcast_in_dim3A_124 = vector.broadcast %broadcast_in_dim3A_123 : i32 to vector<16xi32>
    %scan3A_125 = arith.constant 0 : i32
    %scan3A_126 = arith.constant 10 : i32
    %scan3A_127 = arith.addi %scan3A_125, %scan3A_126 : i32
    %scan3A_128 = arith.constant 1 : i32
    %scan3A_129 = scf.for %scan3A_240 = %scan3A_125 to %scan3A_127 step %scan3A_128 iter_args(%scan3A_241 = %broadcast_in_dim3A_124) -> (vector<16xi32>)  : i32 {
      %mul3A_242 = arith.constant 5 : i32
      %mul3A_243 = arith.muli %scan3A_240, %mul3A_242 : i32
      %add3A_244 = arith.constant 0 : i32
      %add3A_245 = arith.addi %mul3A_243, %add3A_244 : i32
      %broadcast_in_dim3A_246 = vector.broadcast %add3A_245 : i32 to vector<16xi32>
      %gather3A_247 = tpu.vector_load_idx %arg7[%broadcast_in_dim3A_246, %add3A_122] : memref<50x128xi32, #tpu.memory_space<vmem>>[vector<16xi32>, vector<16xi32>], vector<16xi32>,
      %add3A_248 = arith.addi %scan3A_241, %gather3A_247 : vector<16xi32>
      %add3A_249 = arith.constant 1 : i32
      %add3A_250 = arith.addi %mul3A_243, %add3A_249 : i32
      %broadcast_in_dim3A_251 = vector.broadcast %add3A_250 : i32 to vector<16xi32>
      %gather3A_252 = tpu.vector_load_idx %arg7[%broadcast_in_dim3A_251, %add3A_122] : memref<50x128xi32, #tpu.memory_space<vmem>>[vector<16xi32>, vector<16xi32>], vector<16xi32>,
      %add3A_253 = arith.addi %add3A_248, %gather3A_252 : vector<16xi32>
      %add3A_254 = arith.constant 2 : i32
      %add3A_255 = arith.addi %mul3A_243, %add3A_254 : i32
      %broadcast_in_dim3A_256 = vector.broadcast %add3A_255 : i32 to vector<16xi32>
      %gather3A_257 = tpu.vector_load_idx %arg7[%broadcast_in_dim3A_256, %add3A_122] : memref<50x128xi32, #tpu.memory_space<vmem>>[vector<16xi32>, vector<16xi32>], vector<16xi32>,
      %add3A_258 = arith.addi %add3A_253, %gather3A_257 : vector<16xi32>
      %add3A_259 = arith.constant 3 : i32
      %add3A_260 = arith.addi %mul3A_243, %add3A_259 : i32
      %broadcast_in_dim3A_261 = vector.broadcast %add3A_260 : i32 to vector<16xi32>
      %gather3A_262 = tpu.vector_load_idx %arg7[%broadcast_in_dim3A_261, %add3A_122] : memref<50x128xi32, #tpu.memory_space<vmem>>[vector<16xi32>, vector<16xi32>], vector<16xi32>,
      %add3A_263 = arith.addi %add3A_258, %gather3A_262 : vector<16xi32>
      %add3A_264 = arith.constant 4 : i32
      %add3A_265 = arith.addi %mul3A_243, %add3A_264 : i32
      %broadcast_in_dim3A_266 = vector.broadcast %add3A_265 : i32 to vector<16xi32>
      %gather3A_267 = tpu.vector_load_idx %arg7[%broadcast_in_dim3A_266, %add3A_122] : memref<50x128xi32, #tpu.memory_space<vmem>>[vector<16xi32>, vector<16xi32>], vector<16xi32>,
      %add3A_268 = arith.addi %add3A_263, %gather3A_267 : vector<16xi32>
      scf.yield %add3A_268 : vector<16xi32>
    }
    %scan3A_130 = arith.constant 10 : i32
    %sub3A_131 = arith.constant 1 : i32
    %sub3A_132 = vector.broadcast %sub3A_131 : i32 to vector<16xi32>
    %sub3A_133 = arith.subi %scan3A_129, %sub3A_132 : vector<16xi32>
    %jit3A_134 = arith.constant 0 : i32
    %jit3A_135 = arith.constant 49 : i32
    %max3A_136 = vector.broadcast %jit3A_134 : i32 to vector<16xi32>
    %max3A_137 = arith.maxsi %max3A_136, %sub3A_133 : vector<16xi32>
    %min3A_138 = vector.broadcast %jit3A_135 : i32 to vector<16xi32>
    %min3A_139 = arith.minsi %min3A_138, %max3A_137 : vector<16xi32>
    %gather3A_140 = tpu.vector_load_idx %arg8[%min3A_139, %add3A_122] : memref<50x128xi32, #tpu.memory_space<vmem>>[vector<16xi32>, vector<16xi32>], vector<16xi32>,
    %add3A_141 = vector.broadcast %mul3A_2 : i32 to vector<16xi32>
    %add3A_142 = arith.addi %add3A_141, %add3A_120 : vector<16xi32>
    %mul3A_143 = arith.constant 512 : i32
    %mul3A_144 = vector.broadcast %mul3A_143 : i32 to vector<16xi32>
    %mul3A_145 = arith.muli %add3A_142, %mul3A_144 : vector<16xi32>
    %add3A_146 = arith.addi %mul3A_145, %gather3A_140 : vector<16xi32>
    %swap3A_147 = arith.constant 16 : index
    %swap3A_148 = tpu.vector_load %arg11[%swap3A_147] {strides = array<i32>} : memref<32xi32, #tpu.memory_space<vmem>>, vector<16xi32>,
    tpu.vector_store %arg11[%swap3A_147], %add3A_146 {strides = array<i32>} : memref<32xi32, #tpu.memory_space<vmem>>, vector<16xi32>,
    %ne3A_149 = arith.constant 0 : i32
    %ne3A_150 = vector.broadcast %ne3A_149 : i32 to vector<16xi32>
    %ne3A_151 = arith.cmpi ne, %scan3A_129, %ne3A_150 : vector<16xi32>
    %convert_element_type3A_152 = arith.extui %ne3A_151 : vector<16xi1> to vector<16xi32>
    %convert_element_type3A_153 = arith.sitofp %convert_element_type3A_152 : vector<16xi32> to vector<16xf32>
    %swap3A_154 = arith.constant 16 : index
    %swap3A_155 = tpu.vector_load %arg12[%swap3A_154] {strides = array<i32>} : memref<32xf32, #tpu.memory_space<vmem>>, vector<16xf32>,
    tpu.vector_store %arg12[%swap3A_154], %convert_element_type3A_153 {strides = array<i32>} : memref<32xf32, #tpu.memory_space<vmem>>, vector<16xf32>,
    %dma_start3A_156 = arith.constant 16 : i32
    %dma_start3A_157 = arith.constant 0 : i32
    %dma_start3A_158 = tpu.memref_slice %arg10[%dma_start3A_156, %dma_start3A_157] : memref<32x256xf32, #tpu.memory_space<vmem>> -> memref<16x256xf32, #tpu.memory_space<vmem>>
    %dma_start3A_159 = arith.constant 16 : i32
    %dma_start3A_160 = tpu.memref_slice %arg11[%dma_start3A_159] : memref<32xi32, #tpu.memory_space<vmem>> -> memref<16xi32, #tpu.memory_space<vmem>>
    %dma_start3A_161 = arith.constant 0 : i32
    %dma_start3A_162 = arith.constant 0 : i32
    %dma_start3A_163 = tpu.memref_slice %arg3[%dma_start3A_161, %dma_start3A_162] : memref<524288x256xf32, #tpu.memory_space<hbm>> -> memref<524288x256xf32, #tpu.memory_space<hbm>>
    tpu.enqueue_indirect_dma source(%dma_start3A_163 : memref<524288x256xf32, #tpu.memory_space<hbm>>) target(%dma_start3A_158 : memref<16x256xf32, #tpu.memory_space<vmem>>) offsets(%dma_start3A_160 : memref<16xi32, #tpu.memory_space<vmem>>) semaphore(%arg17 : memref<!tpu.dma_semaphore, #tpu.memory_space<semaphore_mem>>)
    %dma_wait3A_164 = arith.constant 0 : i32
    %dma_wait3A_165 = tpu.memref_slice %arg2[%mul3A_2, %dma_wait3A_164] : memref<1024x256xf32, #tpu.memory_space<hbm>> -> memref<32x256xf32, #tpu.memory_space<hbm>>
    %dma_wait3A_166 = arith.constant 0 : i32
    %dma_wait3A_167 = tpu.memref_slice %arg2[%mul3A_2, %dma_wait3A_166] : memref<1024x256xf32, #tpu.memory_space<hbm>> -> memref<32x256xf32, #tpu.memory_space<hbm>>
    tpu.wait_dma2 semaphore(%arg15 : memref<!tpu.dma_semaphore, #tpu.memory_space<semaphore_mem>>) src(%dma_wait3A_167 : memref<32x256xf32, #tpu.memory_space<hbm>>) dst(%arg9 : memref<32x256xf32, #tpu.memory_space<vmem>>)
    %dma_wait3A_168 = arith.constant 0 : i32
    %dma_wait3A_169 = arith.constant 0 : i32
    %dma_wait3A_170 = tpu.memref_slice %arg10[%dma_wait3A_168, %dma_wait3A_169] : memref<32x256xf32, #tpu.memory_space<vmem>> -> memref<16x256xf32, #tpu.memory_space<vmem>>
    %dma_wait3A_171 = arith.constant 0 : i32
    %dma_wait3A_172 = tpu.memref_slice %arg11[%dma_wait3A_171] : memref<32xi32, #tpu.memory_space<vmem>> -> memref<16xi32, #tpu.memory_space<vmem>>
    %dma_wait3A_173 = arith.constant 0 : i32
    %dma_wait3A_174 = arith.constant 0 : i32
    %dma_wait3A_175 = tpu.memref_slice %arg3[%dma_wait3A_173, %dma_wait3A_174] : memref<524288x256xf32, #tpu.memory_space<hbm>> -> memref<524288x256xf32, #tpu.memory_space<hbm>>
    tpu.wait_indirect_dma semaphore(%arg16 : memref<!tpu.dma_semaphore, #tpu.memory_space<semaphore_mem>>) src(%dma_wait3A_175 : memref<524288x256xf32, #tpu.memory_space<hbm>>) dst(%dma_wait3A_170 : memref<16x256xf32, #tpu.memory_space<vmem>>)
    %scan3A_176 = arith.constant 0 : i32
    %scan3A_177 = arith.constant 0 : i32
    %scan3A_178 = arith.constant 16 : i32
    %scan3A_179 = arith.addi %scan3A_177, %scan3A_178 : i32
    %scan3A_180 = arith.constant 1 : i32
    scf.for %scan3A_240 = %scan3A_177 to %scan3A_179 step %scan3A_180  : i32 {
      %broadcast_in_dim3A_241 = vector.broadcast %scan3A_240 : i32 to vector<16xi32>
      %gather3A_242 = tpu.vector_load_idx %arg12[%broadcast_in_dim3A_241] : memref<32xf32, #tpu.memory_space<vmem>>[vector<16xi32>], vector<16xf32>,
      %get3A = arith.index_cast %scan3A_240 : i32 to index
      %get3A_243 = arith.constant 0 : index
      %get3A_244 = tpu.vector_load %arg9[%get3A, %get3A_243] {strides = array<i32>} : memref<32x256xf32, #tpu.memory_space<vmem>>, vector<16xf32>,
      %get3A_245 = arith.index_cast %scan3A_240 : i32 to index
      %get3A_246 = arith.constant 0 : index
      %get3A_247 = tpu.vector_load %arg10[%get3A_245, %get3A_246] {strides = array<i32>} : memref<32x256xf32, #tpu.memory_space<vmem>>, vector<16xf32>,
      %mul3A_248 = arith.mulf %gather3A_242, %get3A_247 : vector<16xf32>
      %add3A_249 = arith.addf %get3A_244, %mul3A_248 : vector<16xf32>
      %swap3A_250 = arith.index_cast %scan3A_240 : i32 to index
      %swap3A_251 = arith.constant 0 : index
      %swap3A_252 = tpu.vector_load %arg10[%swap3A_250, %swap3A_251] {strides = array<i32>} : memref<32x256xf32, #tpu.memory_space<vmem>>, vector<16xf32>,
      tpu.vector_store %arg10[%swap3A_250, %swap3A_251], %add3A_249 {strides = array<i32>} : memref<32x256xf32, #tpu.memory_space<vmem>>, vector<16xf32>,
      %get3A_253 = arith.index_cast %scan3A_240 : i32 to index
      %get3A_254 = arith.constant 16 : index
      %get3A_255 = tpu.vector_load %arg9[%get3A_253, %get3A_254] {strides = array<i32>} : memref<32x256xf32, #tpu.memory_space<vmem>>, vector<16xf32>,
      %get3A_256 = arith.index_cast %scan3A_240 : i32 to index
      %get3A_257 = arith.constant 16 : index
      %get3A_258 = tpu.vector_load %arg10[%get3A_256, %get3A_257] {strides = array<i32>} : memref<32x256xf32, #tpu.memory_space<vmem>>, vector<16xf32>,
      %mul3A_259 = arith.mulf %gather3A_242, %get3A_258 : vector<16xf32>
      %add3A_260 = arith.addf %get3A_255, %mul3A_259 : vector<16xf32>
      %swap3A_261 = arith.index_cast %scan3A_240 : i32 to index
      %swap3A_262 = arith.constant 16 : index
      %swap3A_263 = tpu.vector_load %arg10[%swap3A_261, %swap3A_262] {strides = array<i32>} : memref<32x256xf32, #tpu.memory_space<vmem>>, vector<16xf32>,
      tpu.vector_store %arg10[%swap3A_261, %swap3A_262], %add3A_260 {strides = array<i32>} : memref<32x256xf32, #tpu.memory_space<vmem>>, vector<16xf32>,
      %get3A_264 = arith.index_cast %scan3A_240 : i32 to index
      %get3A_265 = arith.constant 32 : index
      %get3A_266 = tpu.vector_load %arg9[%get3A_264, %get3A_265] {strides = array<i32>} : memref<32x256xf32, #tpu.memory_space<vmem>>, vector<16xf32>,
      %get3A_267 = arith.index_cast %scan3A_240 : i32 to index
      %get3A_268 = arith.constant 32 : index
      %get3A_269 = tpu.vector_load %arg10[%get3A_267, %get3A_268] {strides = array<i32>} : memref<32x256xf32, #tpu.memory_space<vmem>>, vector<16xf32>,
      %mul3A_270 = arith.mulf %gather3A_242, %get3A_269 : vector<16xf32>
      %add3A_271 = arith.addf %get3A_266, %mul3A_270 : vector<16xf32>
      %swap3A_272 = arith.index_cast %scan3A_240 : i32 to index
      %swap3A_273 = arith.constant 32 : index
      %swap3A_274 = tpu.vector_load %arg10[%swap3A_272, %swap3A_273] {strides = array<i32>} : memref<32x256xf32, #tpu.memory_space<vmem>>, vector<16xf32>,
      tpu.vector_store %arg10[%swap3A_272, %swap3A_273], %add3A_271 {strides = array<i32>} : memref<32x256xf32, #tpu.memory_space<vmem>>, vector<16xf32>,
      %get3A_275 = arith.index_cast %scan3A_240 : i32 to index
      %get3A_276 = arith.constant 48 : index
      %get3A_277 = tpu.vector_load %arg9[%get3A_275, %get3A_276] {strides = array<i32>} : memref<32x256xf32, #tpu.memory_space<vmem>>, vector<16xf32>,
      %get3A_278 = arith.index_cast %scan3A_240 : i32 to index
      %get3A_279 = arith.constant 48 : index
      %get3A_280 = tpu.vector_load %arg10[%get3A_278, %get3A_279] {strides = array<i32>} : memref<32x256xf32, #tpu.memory_space<vmem>>, vector<16xf32>,
      %mul3A_281 = arith.mulf %gather3A_242, %get3A_280 : vector<16xf32>
      %add3A_282 = arith.addf %get3A_277, %mul3A_281 : vector<16xf32>
      %swap3A_283 = arith.index_cast %scan3A_240 : i32 to index
      %swap3A_284 = arith.constant 48 : index
      %swap3A_285 = tpu.vector_load %arg10[%swap3A_283, %swap3A_284] {strides = array<i32>} : memref<32x256xf32, #tpu.memory_space<vmem>>, vector<16xf32>,
      tpu.vector_store %arg10[%swap3A_283, %swap3A_284], %add3A_282 {strides = array<i32>} : memref<32x256xf32, #tpu.memory_space<vmem>>, vector<16xf32>,
      %get3A_286 = arith.index_cast %scan3A_240 : i32 to index
      %get3A_287 = arith.constant 64 : index
      %get3A_288 = tpu.vector_load %arg9[%get3A_286, %get3A_287] {strides = array<i32>} : memref<32x256xf32, #tpu.memory_space<vmem>>, vector<16xf32>,
      %get3A_289 = arith.index_cast %scan3A_240 : i32 to index
      %get3A_290 = arith.constant 64 : index
      %get3A_291 = tpu.vector_load %arg10[%get3A_289, %get3A_290] {strides = array<i32>} : memref<32x256xf32, #tpu.memory_space<vmem>>, vector<16xf32>,
      %mul3A_292 = arith.mulf %gather3A_242, %get3A_291 : vector<16xf32>
      %add3A_293 = arith.addf %get3A_288, %mul3A_292 : vector<16xf32>
      %swap3A_294 = arith.index_cast %scan3A_240 : i32 to index
      %swap3A_295 = arith.constant 64 : index
      %swap3A_296 = tpu.vector_load %arg10[%swap3A_294, %swap3A_295] {strides = array<i32>} : memref<32x256xf32, #tpu.memory_space<vmem>>, vector<16xf32>,
      tpu.vector_store %arg10[%swap3A_294, %swap3A_295], %add3A_293 {strides = array<i32>} : memref<32x256xf32, #tpu.memory_space<vmem>>, vector<16xf32>,
      %get3A_297 = arith.index_cast %scan3A_240 : i32 to index
      %get3A_298 = arith.constant 80 : index
      %get3A_299 = tpu.vector_load %arg9[%get3A_297, %get3A_298] {strides = array<i32>} : memref<32x256xf32, #tpu.memory_space<vmem>>, vector<16xf32>,
      %get3A_300 = arith.index_cast %scan3A_240 : i32 to index
      %get3A_301 = arith.constant 80 : index
      %get3A_302 = tpu.vector_load %arg10[%get3A_300, %get3A_301] {strides = array<i32>} : memref<32x256xf32, #tpu.memory_space<vmem>>, vector<16xf32>,
      %mul3A_303 = arith.mulf %gather3A_242, %get3A_302 : vector<16xf32>
      %add3A_304 = arith.addf %get3A_299, %mul3A_303 : vector<16xf32>
      %swap3A_305 = arith.index_cast %scan3A_240 : i32 to index
      %swap3A_306 = arith.constant 80 : index
      %swap3A_307 = tpu.vector_load %arg10[%swap3A_305, %swap3A_306] {strides = array<i32>} : memref<32x256xf32, #tpu.memory_space<vmem>>, vector<16xf32>,
      tpu.vector_store %arg10[%swap3A_305, %swap3A_306], %add3A_304 {strides = array<i32>} : memref<32x256xf32, #tpu.memory_space<vmem>>, vector<16xf32>,
      %get3A_308 = arith.index_cast %scan3A_240 : i32 to index
      %get3A_309 = arith.constant 96 : index
      %get3A_310 = tpu.vector_load %arg9[%get3A_308, %get3A_309] {strides = array<i32>} : memref<32x256xf32, #tpu.memory_space<vmem>>, vector<16xf32>,
      %get3A_311 = arith.index_cast %scan3A_240 : i32 to index
      %get3A_312 = arith.constant 96 : index
      %get3A_313 = tpu.vector_load %arg10[%get3A_311, %get3A_312] {strides = array<i32>} : memref<32x256xf32, #tpu.memory_space<vmem>>, vector<16xf32>,
      %mul3A_314 = arith.mulf %gather3A_242, %get3A_313 : vector<16xf32>
      %add3A_315 = arith.addf %get3A_310, %mul3A_314 : vector<16xf32>
      %swap3A_316 = arith.index_cast %scan3A_240 : i32 to index
      %swap3A_317 = arith.constant 96 : index
      %swap3A_318 = tpu.vector_load %arg10[%swap3A_316, %swap3A_317] {strides = array<i32>} : memref<32x256xf32, #tpu.memory_space<vmem>>, vector<16xf32>,
      tpu.vector_store %arg10[%swap3A_316, %swap3A_317], %add3A_315 {strides = array<i32>} : memref<32x256xf32, #tpu.memory_space<vmem>>, vector<16xf32>,
      %get3A_319 = arith.index_cast %scan3A_240 : i32 to index
      %get3A_320 = arith.constant 112 : index
      %get3A_321 = tpu.vector_load %arg9[%get3A_319, %get3A_320] {strides = array<i32>} : memref<32x256xf32, #tpu.memory_space<vmem>>, vector<16xf32>,
      %get3A_322 = arith.index_cast %scan3A_240 : i32 to index
      %get3A_323 = arith.constant 112 : index
      %get3A_324 = tpu.vector_load %arg10[%get3A_322, %get3A_323] {strides = array<i32>} : memref<32x256xf32, #tpu.memory_space<vmem>>, vector<16xf32>,
      %mul3A_325 = arith.mulf %gather3A_242, %get3A_324 : vector<16xf32>
      %add3A_326 = arith.addf %get3A_321, %mul3A_325 : vector<16xf32>
      %swap3A_327 = arith.index_cast %scan3A_240 : i32 to index
      %swap3A_328 = arith.constant 112 : index
      %swap3A_329 = tpu.vector_load %arg10[%swap3A_327, %swap3A_328] {strides = array<i32>} : memref<32x256xf32, #tpu.memory_space<vmem>>, vector<16xf32>,
      tpu.vector_store %arg10[%swap3A_327, %swap3A_328], %add3A_326 {strides = array<i32>} : memref<32x256xf32, #tpu.memory_space<vmem>>, vector<16xf32>,
      %get3A_330 = arith.index_cast %scan3A_240 : i32 to index
      %get3A_331 = arith.constant 128 : index
      %get3A_332 = tpu.vector_load %arg9[%get3A_330, %get3A_331] {strides = array<i32>} : memref<32x256xf32, #tpu.memory_space<vmem>>, vector<16xf32>,
      %get3A_333 = arith.index_cast %scan3A_240 : i32 to index
      %get3A_334 = arith.constant 128 : index
      %get3A_335 = tpu.vector_load %arg10[%get3A_333, %get3A_334] {strides = array<i32>} : memref<32x256xf32, #tpu.memory_space<vmem>>, vector<16xf32>,
      %mul3A_336 = arith.mulf %gather3A_242, %get3A_335 : vector<16xf32>
      %add3A_337 = arith.addf %get3A_332, %mul3A_336 : vector<16xf32>
      %swap3A_338 = arith.index_cast %scan3A_240 : i32 to index
      %swap3A_339 = arith.constant 128 : index
      %swap3A_340 = tpu.vector_load %arg10[%swap3A_338, %swap3A_339] {strides = array<i32>} : memref<32x256xf32, #tpu.memory_space<vmem>>, vector<16xf32>,
      tpu.vector_store %arg10[%swap3A_338, %swap3A_339], %add3A_337 {strides = array<i32>} : memref<32x256xf32, #tpu.memory_space<vmem>>, vector<16xf32>,
      %get3A_341 = arith.index_cast %scan3A_240 : i32 to index
      %get3A_342 = arith.constant 144 : index
      %get3A_343 = tpu.vector_load %arg9[%get3A_341, %get3A_342] {strides = array<i32>} : memref<32x256xf32, #tpu.memory_space<vmem>>, vector<16xf32>,
      %get3A_344 = arith.index_cast %scan3A_240 : i32 to index
      %get3A_345 = arith.constant 144 : index
      %get3A_346 = tpu.vector_load %arg10[%get3A_344, %get3A_345] {strides = array<i32>} : memref<32x256xf32, #tpu.memory_space<vmem>>, vector<16xf32>,
      %mul3A_347 = arith.mulf %gather3A_242, %get3A_346 : vector<16xf32>
      %add3A_348 = arith.addf %get3A_343, %mul3A_347 : vector<16xf32>
      %swap3A_349 = arith.index_cast %scan3A_240 : i32 to index
      %swap3A_350 = arith.constant 144 : index
      %swap3A_351 = tpu.vector_load %arg10[%swap3A_349, %swap3A_350] {strides = array<i32>} : memref<32x256xf32, #tpu.memory_space<vmem>>, vector<16xf32>,
      tpu.vector_store %arg10[%swap3A_349, %swap3A_350], %add3A_348 {strides = array<i32>} : memref<32x256xf32, #tpu.memory_space<vmem>>, vector<16xf32>,
      %get3A_352 = arith.index_cast %scan3A_240 : i32 to index
      %get3A_353 = arith.constant 160 : index
      %get3A_354 = tpu.vector_load %arg9[%get3A_352, %get3A_353] {strides = array<i32>} : memref<32x256xf32, #tpu.memory_space<vmem>>, vector<16xf32>,
      %get3A_355 = arith.index_cast %scan3A_240 : i32 to index
      %get3A_356 = arith.constant 160 : index
      %get3A_357 = tpu.vector_load %arg10[%get3A_355, %get3A_356] {strides = array<i32>} : memref<32x256xf32, #tpu.memory_space<vmem>>, vector<16xf32>,
      %mul3A_358 = arith.mulf %gather3A_242, %get3A_357 : vector<16xf32>
      %add3A_359 = arith.addf %get3A_354, %mul3A_358 : vector<16xf32>
      %swap3A_360 = arith.index_cast %scan3A_240 : i32 to index
      %swap3A_361 = arith.constant 160 : index
      %swap3A_362 = tpu.vector_load %arg10[%swap3A_360, %swap3A_361] {strides = array<i32>} : memref<32x256xf32, #tpu.memory_space<vmem>>, vector<16xf32>,
      tpu.vector_store %arg10[%swap3A_360, %swap3A_361], %add3A_359 {strides = array<i32>} : memref<32x256xf32, #tpu.memory_space<vmem>>, vector<16xf32>,
      %get3A_363 = arith.index_cast %scan3A_240 : i32 to index
      %get3A_364 = arith.constant 176 : index
      %get3A_365 = tpu.vector_load %arg9[%get3A_363, %get3A_364] {strides = array<i32>} : memref<32x256xf32, #tpu.memory_space<vmem>>, vector<16xf32>,
      %get3A_366 = arith.index_cast %scan3A_240 : i32 to index
      %get3A_367 = arith.constant 176 : index
      %get3A_368 = tpu.vector_load %arg10[%get3A_366, %get3A_367] {strides = array<i32>} : memref<32x256xf32, #tpu.memory_space<vmem>>, vector<16xf32>,
      %mul3A_369 = arith.mulf %gather3A_242, %get3A_368 : vector<16xf32>
      %add3A_370 = arith.addf %get3A_365, %mul3A_369 : vector<16xf32>
      %swap3A_371 = arith.index_cast %scan3A_240 : i32 to index
      %swap3A_372 = arith.constant 176 : index
      %swap3A_373 = tpu.vector_load %arg10[%swap3A_371, %swap3A_372] {strides = array<i32>} : memref<32x256xf32, #tpu.memory_space<vmem>>, vector<16xf32>,
      tpu.vector_store %arg10[%swap3A_371, %swap3A_372], %add3A_370 {strides = array<i32>} : memref<32x256xf32, #tpu.memory_space<vmem>>, vector<16xf32>,
      %get3A_374 = arith.index_cast %scan3A_240 : i32 to index
      %get3A_375 = arith.constant 192 : index
      %get3A_376 = tpu.vector_load %arg9[%get3A_374, %get3A_375] {strides = array<i32>} : memref<32x256xf32, #tpu.memory_space<vmem>>, vector<16xf32>,
      %get3A_377 = arith.index_cast %scan3A_240 : i32 to index
      %get3A_378 = arith.constant 192 : index
      %get3A_379 = tpu.vector_load %arg10[%get3A_377, %get3A_378] {strides = array<i32>} : memref<32x256xf32, #tpu.memory_space<vmem>>, vector<16xf32>,
      %mul3A_380 = arith.mulf %gather3A_242, %get3A_379 : vector<16xf32>
      %add3A_381 = arith.addf %get3A_376, %mul3A_380 : vector<16xf32>
      %swap3A_382 = arith.index_cast %scan3A_240 : i32 to index
      %swap3A_383 = arith.constant 192 : index
      %swap3A_384 = tpu.vector_load %arg10[%swap3A_382, %swap3A_383] {strides = array<i32>} : memref<32x256xf32, #tpu.memory_space<vmem>>, vector<16xf32>,
      tpu.vector_store %arg10[%swap3A_382, %swap3A_383], %add3A_381 {strides = array<i32>} : memref<32x256xf32, #tpu.memory_space<vmem>>, vector<16xf32>,
      %get3A_385 = arith.index_cast %scan3A_240 : i32 to index
      %get3A_386 = arith.constant 208 : index
      %get3A_387 = tpu.vector_load %arg9[%get3A_385, %get3A_386] {strides = array<i32>} : memref<32x256xf32, #tpu.memory_space<vmem>>, vector<16xf32>,
      %get3A_388 = arith.index_cast %scan3A_240 : i32 to index
      %get3A_389 = arith.constant 208 : index
      %get3A_390 = tpu.vector_load %arg10[%get3A_388, %get3A_389] {strides = array<i32>} : memref<32x256xf32, #tpu.memory_space<vmem>>, vector<16xf32>,
      %mul3A_391 = arith.mulf %gather3A_242, %get3A_390 : vector<16xf32>
      %add3A_392 = arith.addf %get3A_387, %mul3A_391 : vector<16xf32>
      %swap3A_393 = arith.index_cast %scan3A_240 : i32 to index
      %swap3A_394 = arith.constant 208 : index
      %swap3A_395 = tpu.vector_load %arg10[%swap3A_393, %swap3A_394] {strides = array<i32>} : memref<32x256xf32, #tpu.memory_space<vmem>>, vector<16xf32>,
      tpu.vector_store %arg10[%swap3A_393, %swap3A_394], %add3A_392 {strides = array<i32>} : memref<32x256xf32, #tpu.memory_space<vmem>>, vector<16xf32>,
      %get3A_396 = arith.index_cast %scan3A_240 : i32 to index
      %get3A_397 = arith.constant 224 : index
      %get3A_398 = tpu.vector_load %arg9[%get3A_396, %get3A_397] {strides = array<i32>} : memref<32x256xf32, #tpu.memory_space<vmem>>, vector<16xf32>,
      %get3A_399 = arith.index_cast %scan3A_240 : i32 to index
      %get3A_400 = arith.constant 224 : index
      %get3A_401 = tpu.vector_load %arg10[%get3A_399, %get3A_400] {strides = array<i32>} : memref<32x256xf32, #tpu.memory_space<vmem>>, vector<16xf32>,
      %mul3A_402 = arith.mulf %gather3A_242, %get3A_401 : vector<16xf32>
      %add3A_403 = arith.addf %get3A_398, %mul3A_402 : vector<16xf32>
      %swap3A_404 = arith.index_cast %scan3A_240 : i32 to index
      %swap3A_405 = arith.constant 224 : index
      %swap3A_406 = tpu.vector_load %arg10[%swap3A_404, %swap3A_405] {strides = array<i32>} : memref<32x256xf32, #tpu.memory_space<vmem>>, vector<16xf32>,
      tpu.vector_store %arg10[%swap3A_404, %swap3A_405], %add3A_403 {strides = array<i32>} : memref<32x256xf32, #tpu.memory_space<vmem>>, vector<16xf32>,
      %get3A_407 = arith.index_cast %scan3A_240 : i32 to index
      %get3A_408 = arith.constant 240 : index
      %get3A_409 = tpu.vector_load %arg9[%get3A_407, %get3A_408] {strides = array<i32>} : memref<32x256xf32, #tpu.memory_space<vmem>>, vector<16xf32>,
      %get3A_410 = arith.index_cast %scan3A_240 : i32 to index
      %get3A_411 = arith.constant 240 : index
      %get3A_412 = tpu.vector_load %arg10[%get3A_410, %get3A_411] {strides = array<i32>} : memref<32x256xf32, #tpu.memory_space<vmem>>, vector<16xf32>,
      %mul3A_413 = arith.mulf %gather3A_242, %get3A_412 : vector<16xf32>
      %add3A_414 = arith.addf %get3A_409, %mul3A_413 : vector<16xf32>
      %swap3A_415 = arith.index_cast %scan3A_240 : i32 to index
      %swap3A_416 = arith.constant 240 : index
      %swap3A_417 = tpu.vector_load %arg10[%swap3A_415, %swap3A_416] {strides = array<i32>} : memref<32x256xf32, #tpu.memory_space<vmem>>, vector<16xf32>,
      tpu.vector_store %arg10[%swap3A_415, %swap3A_416], %add3A_414 {strides = array<i32>} : memref<32x256xf32, #tpu.memory_space<vmem>>, vector<16xf32>,
    }
    %scan3A_181 = arith.constant 16 : i32
    %add3A_182 = arith.constant 0 : i32
    %add3A_183 = arith.addi %mul3A_2, %add3A_182 : i32
    %dma_start3A_184 = arith.constant 0 : i32
    %dma_start3A_185 = arith.constant 0 : i32
    %dma_start3A_186 = tpu.memref_slice %arg10[%dma_start3A_184, %dma_start3A_185] : memref<32x256xf32, #tpu.memory_space<vmem>> -> memref<16x256xf32, #tpu.memory_space<vmem>>
    %dma_start3A_187 = arith.constant 0 : i32
    %dma_start3A_188 = tpu.memref_slice %arg6[%add3A_183, %dma_start3A_187] : memref<1024x256xf32, #tpu.memory_space<hbm>> -> memref<16x256xf32, #tpu.memory_space<hbm>>
    %dma_start3A_189 = arith.constant 0 : i32
    %dma_start3A_190 = tpu.memref_slice %arg6[%add3A_183, %dma_start3A_189] : memref<1024x256xf32, #tpu.memory_space<hbm>> -> memref<16x256xf32, #tpu.memory_space<hbm>>
    %dma_start3A_191 = arith.constant 0 : i32
    %dma_start3A_192 = arith.constant 0 : i32
    %dma_start3A_193 = tpu.memref_slice %arg10[%dma_start3A_191, %dma_start3A_192] : memref<32x256xf32, #tpu.memory_space<vmem>> -> memref<16x256xf32, #tpu.memory_space<vmem>>
    tpu.enqueue_dma source(%dma_start3A_193 : memref<16x256xf32, #tpu.memory_space<vmem>>) target(%dma_start3A_190 : memref<16x256xf32, #tpu.memory_space<hbm>>) target_semaphore(%arg18 : memref<!tpu.dma_semaphore, #tpu.memory_space<semaphore_mem>>)
    %dma_wait3A_194 = arith.constant 16 : i32
    %dma_wait3A_195 = arith.constant 0 : i32
    %dma_wait3A_196 = tpu.memref_slice %arg10[%dma_wait3A_194, %dma_wait3A_195] : memref<32x256xf32, #tpu.memory_space<vmem>> -> memref<16x256xf32, #tpu.memory_space<vmem>>
    %dma_wait3A_197 = arith.constant 16 : i32
    %dma_wait3A_198 = tpu.memref_slice %arg11[%dma_wait3A_197] : memref<32xi32, #tpu.memory_space<vmem>> -> memref<16xi32, #tpu.memory_space<vmem>>
    %dma_wait3A_199 = arith.constant 0 : i32
    %dma_wait3A_200 = arith.constant 0 : i32
    %dma_wait3A_201 = tpu.memref_slice %arg3[%dma_wait3A_199, %dma_wait3A_200] : memref<524288x256xf32, #tpu.memory_space<hbm>> -> memref<524288x256xf32, #tpu.memory_space<hbm>>
    tpu.wait_indirect_dma semaphore(%arg17 : memref<!tpu.dma_semaphore, #tpu.memory_space<semaphore_mem>>) src(%dma_wait3A_201 : memref<524288x256xf32, #tpu.memory_space<hbm>>) dst(%dma_wait3A_196 : memref<16x256xf32, #tpu.memory_space<vmem>>)
    %scan3A_202 = arith.constant 0 : i32
    %scan3A_203 = arith.constant 16 : i32
    %scan3A_204 = arith.constant 16 : i32
    %scan3A_205 = arith.addi %scan3A_203, %scan3A_204 : i32
    %scan3A_206 = arith.constant 1 : i32
    scf.for %scan3A_240 = %scan3A_203 to %scan3A_205 step %scan3A_206  : i32 {
      %broadcast_in_dim3A_241 = vector.broadcast %scan3A_240 : i32 to vector<16xi32>
      %gather3A_242 = tpu.vector_load_idx %arg12[%broadcast_in_dim3A_241] : memref<32xf32, #tpu.memory_space<vmem>>[vector<16xi32>], vector<16xf32>,
      %get3A = arith.index_cast %scan3A_240 : i32 to index
      %get3A_243 = arith.constant 0 : index
      %get3A_244 = tpu.vector_load %arg9[%get3A, %get3A_243] {strides = array<i32>} : memref<32x256xf32, #tpu.memory_space<vmem>>, vector<16xf32>,
      %get3A_245 = arith.index_cast %scan3A_240 : i32 to index
      %get3A_246 = arith.constant 0 : index
      %get3A_247 = tpu.vector_load %arg10[%get3A_245, %get3A_246] {strides = array<i32>} : memref<32x256xf32, #tpu.memory_space<vmem>>, vector<16xf32>,
      %mul3A_248 = arith.mulf %gather3A_242, %get3A_247 : vector<16xf32>
      %add3A_249 = arith.addf %get3A_244, %mul3A_248 : vector<16xf32>
      %swap3A_250 = arith.index_cast %scan3A_240 : i32 to index
      %swap3A_251 = arith.constant 0 : index
      %swap3A_252 = tpu.vector_load %arg10[%swap3A_250, %swap3A_251] {strides = array<i32>} : memref<32x256xf32, #tpu.memory_space<vmem>>, vector<16xf32>,
      tpu.vector_store %arg10[%swap3A_250, %swap3A_251], %add3A_249 {strides = array<i32>} : memref<32x256xf32, #tpu.memory_space<vmem>>, vector<16xf32>,
      %get3A_253 = arith.index_cast %scan3A_240 : i32 to index
      %get3A_254 = arith.constant 16 : index
      %get3A_255 = tpu.vector_load %arg9[%get3A_253, %get3A_254] {strides = array<i32>} : memref<32x256xf32, #tpu.memory_space<vmem>>, vector<16xf32>,
      %get3A_256 = arith.index_cast %scan3A_240 : i32 to index
      %get3A_257 = arith.constant 16 : index
      %get3A_258 = tpu.vector_load %arg10[%get3A_256, %get3A_257] {strides = array<i32>} : memref<32x256xf32, #tpu.memory_space<vmem>>, vector<16xf32>,
      %mul3A_259 = arith.mulf %gather3A_242, %get3A_258 : vector<16xf32>
      %add3A_260 = arith.addf %get3A_255, %mul3A_259 : vector<16xf32>
      %swap3A_261 = arith.index_cast %scan3A_240 : i32 to index
      %swap3A_262 = arith.constant 16 : index
      %swap3A_263 = tpu.vector_load %arg10[%swap3A_261, %swap3A_262] {strides = array<i32>} : memref<32x256xf32, #tpu.memory_space<vmem>>, vector<16xf32>,
      tpu.vector_store %arg10[%swap3A_261, %swap3A_262], %add3A_260 {strides = array<i32>} : memref<32x256xf32, #tpu.memory_space<vmem>>, vector<16xf32>,
      %get3A_264 = arith.index_cast %scan3A_240 : i32 to index
      %get3A_265 = arith.constant 32 : index
      %get3A_266 = tpu.vector_load %arg9[%get3A_264, %get3A_265] {strides = array<i32>} : memref<32x256xf32, #tpu.memory_space<vmem>>, vector<16xf32>,
      %get3A_267 = arith.index_cast %scan3A_240 : i32 to index
      %get3A_268 = arith.constant 32 : index
      %get3A_269 = tpu.vector_load %arg10[%get3A_267, %get3A_268] {strides = array<i32>} : memref<32x256xf32, #tpu.memory_space<vmem>>, vector<16xf32>,
      %mul3A_270 = arith.mulf %gather3A_242, %get3A_269 : vector<16xf32>
      %add3A_271 = arith.addf %get3A_266, %mul3A_270 : vector<16xf32>
      %swap3A_272 = arith.index_cast %scan3A_240 : i32 to index
      %swap3A_273 = arith.constant 32 : index
      %swap3A_274 = tpu.vector_load %arg10[%swap3A_272, %swap3A_273] {strides = array<i32>} : memref<32x256xf32, #tpu.memory_space<vmem>>, vector<16xf32>,
      tpu.vector_store %arg10[%swap3A_272, %swap3A_273], %add3A_271 {strides = array<i32>} : memref<32x256xf32, #tpu.memory_space<vmem>>, vector<16xf32>,
      %get3A_275 = arith.index_cast %scan3A_240 : i32 to index
      %get3A_276 = arith.constant 48 : index
      %get3A_277 = tpu.vector_load %arg9[%get3A_275, %get3A_276] {strides = array<i32>} : memref<32x256xf32, #tpu.memory_space<vmem>>, vector<16xf32>,
      %get3A_278 = arith.index_cast %scan3A_240 : i32 to index
      %get3A_279 = arith.constant 48 : index
      %get3A_280 = tpu.vector_load %arg10[%get3A_278, %get3A_279] {strides = array<i32>} : memref<32x256xf32, #tpu.memory_space<vmem>>, vector<16xf32>,
      %mul3A_281 = arith.mulf %gather3A_242, %get3A_280 : vector<16xf32>
      %add3A_282 = arith.addf %get3A_277, %mul3A_281 : vector<16xf32>
      %swap3A_283 = arith.index_cast %scan3A_240 : i32 to index
      %swap3A_284 = arith.constant 48 : index
      %swap3A_285 = tpu.vector_load %arg10[%swap3A_283, %swap3A_284] {strides = array<i32>} : memref<32x256xf32, #tpu.memory_space<vmem>>, vector<16xf32>,
      tpu.vector_store %arg10[%swap3A_283, %swap3A_284], %add3A_282 {strides = array<i32>} : memref<32x256xf32, #tpu.memory_space<vmem>>, vector<16xf32>,
      %get3A_286 = arith.index_cast %scan3A_240 : i32 to index
      %get3A_287 = arith.constant 64 : index
      %get3A_288 = tpu.vector_load %arg9[%get3A_286, %get3A_287] {strides = array<i32>} : memref<32x256xf32, #tpu.memory_space<vmem>>, vector<16xf32>,
      %get3A_289 = arith.index_cast %scan3A_240 : i32 to index
      %get3A_290 = arith.constant 64 : index
      %get3A_291 = tpu.vector_load %arg10[%get3A_289, %get3A_290] {strides = array<i32>} : memref<32x256xf32, #tpu.memory_space<vmem>>, vector<16xf32>,
      %mul3A_292 = arith.mulf %gather3A_242, %get3A_291 : vector<16xf32>
      %add3A_293 = arith.addf %get3A_288, %mul3A_292 : vector<16xf32>
      %swap3A_294 = arith.index_cast %scan3A_240 : i32 to index
      %swap3A_295 = arith.constant 64 : index
      %swap3A_296 = tpu.vector_load %arg10[%swap3A_294, %swap3A_295] {strides = array<i32>} : memref<32x256xf32, #tpu.memory_space<vmem>>, vector<16xf32>,
      tpu.vector_store %arg10[%swap3A_294, %swap3A_295], %add3A_293 {strides = array<i32>} : memref<32x256xf32, #tpu.memory_space<vmem>>, vector<16xf32>,
      %get3A_297 = arith.index_cast %scan3A_240 : i32 to index
      %get3A_298 = arith.constant 80 : index
      %get3A_299 = tpu.vector_load %arg9[%get3A_297, %get3A_298] {strides = array<i32>} : memref<32x256xf32, #tpu.memory_space<vmem>>, vector<16xf32>,
      %get3A_300 = arith.index_cast %scan3A_240 : i32 to index
      %get3A_301 = arith.constant 80 : index
      %get3A_302 = tpu.vector_load %arg10[%get3A_300, %get3A_301] {strides = array<i32>} : memref<32x256xf32, #tpu.memory_space<vmem>>, vector<16xf32>,
      %mul3A_303 = arith.mulf %gather3A_242, %get3A_302 : vector<16xf32>
      %add3A_304 = arith.addf %get3A_299, %mul3A_303 : vector<16xf32>
      %swap3A_305 = arith.index_cast %scan3A_240 : i32 to index
      %swap3A_306 = arith.constant 80 : index
      %swap3A_307 = tpu.vector_load %arg10[%swap3A_305, %swap3A_306] {strides = array<i32>} : memref<32x256xf32, #tpu.memory_space<vmem>>, vector<16xf32>,
      tpu.vector_store %arg10[%swap3A_305, %swap3A_306], %add3A_304 {strides = array<i32>} : memref<32x256xf32, #tpu.memory_space<vmem>>, vector<16xf32>,
      %get3A_308 = arith.index_cast %scan3A_240 : i32 to index
      %get3A_309 = arith.constant 96 : index
      %get3A_310 = tpu.vector_load %arg9[%get3A_308, %get3A_309] {strides = array<i32>} : memref<32x256xf32, #tpu.memory_space<vmem>>, vector<16xf32>,
      %get3A_311 = arith.index_cast %scan3A_240 : i32 to index
      %get3A_312 = arith.constant 96 : index
      %get3A_313 = tpu.vector_load %arg10[%get3A_311, %get3A_312] {strides = array<i32>} : memref<32x256xf32, #tpu.memory_space<vmem>>, vector<16xf32>,
      %mul3A_314 = arith.mulf %gather3A_242, %get3A_313 : vector<16xf32>
      %add3A_315 = arith.addf %get3A_310, %mul3A_314 : vector<16xf32>
      %swap3A_316 = arith.index_cast %scan3A_240 : i32 to index
      %swap3A_317 = arith.constant 96 : index
      %swap3A_318 = tpu.vector_load %arg10[%swap3A_316, %swap3A_317] {strides = array<i32>} : memref<32x256xf32, #tpu.memory_space<vmem>>, vector<16xf32>,
      tpu.vector_store %arg10[%swap3A_316, %swap3A_317], %add3A_315 {strides = array<i32>} : memref<32x256xf32, #tpu.memory_space<vmem>>, vector<16xf32>,
      %get3A_319 = arith.index_cast %scan3A_240 : i32 to index
      %get3A_320 = arith.constant 112 : index
      %get3A_321 = tpu.vector_load %arg9[%get3A_319, %get3A_320] {strides = array<i32>} : memref<32x256xf32, #tpu.memory_space<vmem>>, vector<16xf32>,
      %get3A_322 = arith.index_cast %scan3A_240 : i32 to index
      %get3A_323 = arith.constant 112 : index
      %get3A_324 = tpu.vector_load %arg10[%get3A_322, %get3A_323] {strides = array<i32>} : memref<32x256xf32, #tpu.memory_space<vmem>>, vector<16xf32>,
      %mul3A_325 = arith.mulf %gather3A_242, %get3A_324 : vector<16xf32>
      %add3A_326 = arith.addf %get3A_321, %mul3A_325 : vector<16xf32>
      %swap3A_327 = arith.index_cast %scan3A_240 : i32 to index
      %swap3A_328 = arith.constant 112 : index
      %swap3A_329 = tpu.vector_load %arg10[%swap3A_327, %swap3A_328] {strides = array<i32>} : memref<32x256xf32, #tpu.memory_space<vmem>>, vector<16xf32>,
      tpu.vector_store %arg10[%swap3A_327, %swap3A_328], %add3A_326 {strides = array<i32>} : memref<32x256xf32, #tpu.memory_space<vmem>>, vector<16xf32>,
      %get3A_330 = arith.index_cast %scan3A_240 : i32 to index
      %get3A_331 = arith.constant 128 : index
      %get3A_332 = tpu.vector_load %arg9[%get3A_330, %get3A_331] {strides = array<i32>} : memref<32x256xf32, #tpu.memory_space<vmem>>, vector<16xf32>,
      %get3A_333 = arith.index_cast %scan3A_240 : i32 to index
      %get3A_334 = arith.constant 128 : index
      %get3A_335 = tpu.vector_load %arg10[%get3A_333, %get3A_334] {strides = array<i32>} : memref<32x256xf32, #tpu.memory_space<vmem>>, vector<16xf32>,
      %mul3A_336 = arith.mulf %gather3A_242, %get3A_335 : vector<16xf32>
      %add3A_337 = arith.addf %get3A_332, %mul3A_336 : vector<16xf32>
      %swap3A_338 = arith.index_cast %scan3A_240 : i32 to index
      %swap3A_339 = arith.constant 128 : index
      %swap3A_340 = tpu.vector_load %arg10[%swap3A_338, %swap3A_339] {strides = array<i32>} : memref<32x256xf32, #tpu.memory_space<vmem>>, vector<16xf32>,
      tpu.vector_store %arg10[%swap3A_338, %swap3A_339], %add3A_337 {strides = array<i32>} : memref<32x256xf32, #tpu.memory_space<vmem>>, vector<16xf32>,
      %get3A_341 = arith.index_cast %scan3A_240 : i32 to index
      %get3A_342 = arith.constant 144 : index
      %get3A_343 = tpu.vector_load %arg9[%get3A_341, %get3A_342] {strides = array<i32>} : memref<32x256xf32, #tpu.memory_space<vmem>>, vector<16xf32>,
      %get3A_344 = arith.index_cast %scan3A_240 : i32 to index
      %get3A_345 = arith.constant 144 : index
      %get3A_346 = tpu.vector_load %arg10[%get3A_344, %get3A_345] {strides = array<i32>} : memref<32x256xf32, #tpu.memory_space<vmem>>, vector<16xf32>,
      %mul3A_347 = arith.mulf %gather3A_242, %get3A_346 : vector<16xf32>
      %add3A_348 = arith.addf %get3A_343, %mul3A_347 : vector<16xf32>
      %swap3A_349 = arith.index_cast %scan3A_240 : i32 to index
      %swap3A_350 = arith.constant 144 : index
      %swap3A_351 = tpu.vector_load %arg10[%swap3A_349, %swap3A_350] {strides = array<i32>} : memref<32x256xf32, #tpu.memory_space<vmem>>, vector<16xf32>,
      tpu.vector_store %arg10[%swap3A_349, %swap3A_350], %add3A_348 {strides = array<i32>} : memref<32x256xf32, #tpu.memory_space<vmem>>, vector<16xf32>,
      %get3A_352 = arith.index_cast %scan3A_240 : i32 to index
      %get3A_353 = arith.constant 160 : index
      %get3A_354 = tpu.vector_load %arg9[%get3A_352, %get3A_353] {strides = array<i32>} : memref<32x256xf32, #tpu.memory_space<vmem>>, vector<16xf32>,
      %get3A_355 = arith.index_cast %scan3A_240 : i32 to index
      %get3A_356 = arith.constant 160 : index
      %get3A_357 = tpu.vector_load %arg10[%get3A_355, %get3A_356] {strides = array<i32>} : memref<32x256xf32, #tpu.memory_space<vmem>>, vector<16xf32>,
      %mul3A_358 = arith.mulf %gather3A_242, %get3A_357 : vector<16xf32>
      %add3A_359 = arith.addf %get3A_354, %mul3A_358 : vector<16xf32>
      %swap3A_360 = arith.index_cast %scan3A_240 : i32 to index
      %swap3A_361 = arith.constant 160 : index
      %swap3A_362 = tpu.vector_load %arg10[%swap3A_360, %swap3A_361] {strides = array<i32>} : memref<32x256xf32, #tpu.memory_space<vmem>>, vector<16xf32>,
      tpu.vector_store %arg10[%swap3A_360, %swap3A_361], %add3A_359 {strides = array<i32>} : memref<32x256xf32, #tpu.memory_space<vmem>>, vector<16xf32>,
      %get3A_363 = arith.index_cast %scan3A_240 : i32 to index
      %get3A_364 = arith.constant 176 : index
      %get3A_365 = tpu.vector_load %arg9[%get3A_363, %get3A_364] {strides = array<i32>} : memref<32x256xf32, #tpu.memory_space<vmem>>, vector<16xf32>,
      %get3A_366 = arith.index_cast %scan3A_240 : i32 to index
      %get3A_367 = arith.constant 176 : index
      %get3A_368 = tpu.vector_load %arg10[%get3A_366, %get3A_367] {strides = array<i32>} : memref<32x256xf32, #tpu.memory_space<vmem>>, vector<16xf32>,
      %mul3A_369 = arith.mulf %gather3A_242, %get3A_368 : vector<16xf32>
      %add3A_370 = arith.addf %get3A_365, %mul3A_369 : vector<16xf32>
      %swap3A_371 = arith.index_cast %scan3A_240 : i32 to index
      %swap3A_372 = arith.constant 176 : index
      %swap3A_373 = tpu.vector_load %arg10[%swap3A_371, %swap3A_372] {strides = array<i32>} : memref<32x256xf32, #tpu.memory_space<vmem>>, vector<16xf32>,
      tpu.vector_store %arg10[%swap3A_371, %swap3A_372], %add3A_370 {strides = array<i32>} : memref<32x256xf32, #tpu.memory_space<vmem>>, vector<16xf32>,
      %get3A_374 = arith.index_cast %scan3A_240 : i32 to index
      %get3A_375 = arith.constant 192 : index
      %get3A_376 = tpu.vector_load %arg9[%get3A_374, %get3A_375] {strides = array<i32>} : memref<32x256xf32, #tpu.memory_space<vmem>>, vector<16xf32>,
      %get3A_377 = arith.index_cast %scan3A_240 : i32 to index
      %get3A_378 = arith.constant 192 : index
      %get3A_379 = tpu.vector_load %arg10[%get3A_377, %get3A_378] {strides = array<i32>} : memref<32x256xf32, #tpu.memory_space<vmem>>, vector<16xf32>,
      %mul3A_380 = arith.mulf %gather3A_242, %get3A_379 : vector<16xf32>
      %add3A_381 = arith.addf %get3A_376, %mul3A_380 : vector<16xf32>
      %swap3A_382 = arith.index_cast %scan3A_240 : i32 to index
      %swap3A_383 = arith.constant 192 : index
      %swap3A_384 = tpu.vector_load %arg10[%swap3A_382, %swap3A_383] {strides = array<i32>} : memref<32x256xf32, #tpu.memory_space<vmem>>, vector<16xf32>,
      tpu.vector_store %arg10[%swap3A_382, %swap3A_383], %add3A_381 {strides = array<i32>} : memref<32x256xf32, #tpu.memory_space<vmem>>, vector<16xf32>,
      %get3A_385 = arith.index_cast %scan3A_240 : i32 to index
      %get3A_386 = arith.constant 208 : index
      %get3A_387 = tpu.vector_load %arg9[%get3A_385, %get3A_386] {strides = array<i32>} : memref<32x256xf32, #tpu.memory_space<vmem>>, vector<16xf32>,
      %get3A_388 = arith.index_cast %scan3A_240 : i32 to index
      %get3A_389 = arith.constant 208 : index
      %get3A_390 = tpu.vector_load %arg10[%get3A_388, %get3A_389] {strides = array<i32>} : memref<32x256xf32, #tpu.memory_space<vmem>>, vector<16xf32>,
      %mul3A_391 = arith.mulf %gather3A_242, %get3A_390 : vector<16xf32>
      %add3A_392 = arith.addf %get3A_387, %mul3A_391 : vector<16xf32>
      %swap3A_393 = arith.index_cast %scan3A_240 : i32 to index
      %swap3A_394 = arith.constant 208 : index
      %swap3A_395 = tpu.vector_load %arg10[%swap3A_393, %swap3A_394] {strides = array<i32>} : memref<32x256xf32, #tpu.memory_space<vmem>>, vector<16xf32>,
      tpu.vector_store %arg10[%swap3A_393, %swap3A_394], %add3A_392 {strides = array<i32>} : memref<32x256xf32, #tpu.memory_space<vmem>>, vector<16xf32>,
      %get3A_396 = arith.index_cast %scan3A_240 : i32 to index
      %get3A_397 = arith.constant 224 : index
      %get3A_398 = tpu.vector_load %arg9[%get3A_396, %get3A_397] {strides = array<i32>} : memref<32x256xf32, #tpu.memory_space<vmem>>, vector<16xf32>,
      %get3A_399 = arith.index_cast %scan3A_240 : i32 to index
      %get3A_400 = arith.constant 224 : index
      %get3A_401 = tpu.vector_load %arg10[%get3A_399, %get3A_400] {strides = array<i32>} : memref<32x256xf32, #tpu.memory_space<vmem>>, vector<16xf32>,
      %mul3A_402 = arith.mulf %gather3A_242, %get3A_401 : vector<16xf32>
      %add3A_403 = arith.addf %get3A_398, %mul3A_402 : vector<16xf32>
      %swap3A_404 = arith.index_cast %scan3A_240 : i32 to index
      %swap3A_405 = arith.constant 224 : index
      %swap3A_406 = tpu.vector_load %arg10[%swap3A_404, %swap3A_405] {strides = array<i32>} : memref<32x256xf32, #tpu.memory_space<vmem>>, vector<16xf32>,
      tpu.vector_store %arg10[%swap3A_404, %swap3A_405], %add3A_403 {strides = array<i32>} : memref<32x256xf32, #tpu.memory_space<vmem>>, vector<16xf32>,
      %get3A_407 = arith.index_cast %scan3A_240 : i32 to index
      %get3A_408 = arith.constant 240 : index
      %get3A_409 = tpu.vector_load %arg9[%get3A_407, %get3A_408] {strides = array<i32>} : memref<32x256xf32, #tpu.memory_space<vmem>>, vector<16xf32>,
      %get3A_410 = arith.index_cast %scan3A_240 : i32 to index
      %get3A_411 = arith.constant 240 : index
      %get3A_412 = tpu.vector_load %arg10[%get3A_410, %get3A_411] {strides = array<i32>} : memref<32x256xf32, #tpu.memory_space<vmem>>, vector<16xf32>,
      %mul3A_413 = arith.mulf %gather3A_242, %get3A_412 : vector<16xf32>
      %add3A_414 = arith.addf %get3A_409, %mul3A_413 : vector<16xf32>
      %swap3A_415 = arith.index_cast %scan3A_240 : i32 to index
      %swap3A_416 = arith.constant 240 : index
      %swap3A_417 = tpu.vector_load %arg10[%swap3A_415, %swap3A_416] {strides = array<i32>} : memref<32x256xf32, #tpu.memory_space<vmem>>, vector<16xf32>,
      tpu.vector_store %arg10[%swap3A_415, %swap3A_416], %add3A_414 {strides = array<i32>} : memref<32x256xf32, #tpu.memory_space<vmem>>, vector<16xf32>,
    }
    %scan3A_207 = arith.constant 16 : i32
    %add3A_208 = arith.constant 16 : i32
    %add3A_209 = arith.addi %mul3A_2, %add3A_208 : i32
    %dma_start3A_210 = arith.constant 16 : i32
    %dma_start3A_211 = arith.constant 0 : i32
    %dma_start3A_212 = tpu.memref_slice %arg10[%dma_start3A_210, %dma_start3A_211] : memref<32x256xf32, #tpu.memory_space<vmem>> -> memref<16x256xf32, #tpu.memory_space<vmem>>
    %dma_start3A_213 = arith.constant 0 : i32
    %dma_start3A_214 = tpu.memref_slice %arg6[%add3A_209, %dma_start3A_213] : memref<1024x256xf32, #tpu.memory_space<hbm>> -> memref<16x256xf32, #tpu.memory_space<hbm>>
    %dma_start3A_215 = arith.constant 0 : i32
    %dma_start3A_216 = tpu.memref_slice %arg6[%add3A_209, %dma_start3A_215] : memref<1024x256xf32, #tpu.memory_space<hbm>> -> memref<16x256xf32, #tpu.memory_space<hbm>>
    %dma_start3A_217 = arith.constant 16 : i32
    %dma_start3A_218 = arith.constant 0 : i32
    %dma_start3A_219 = tpu.memref_slice %arg10[%dma_start3A_217, %dma_start3A_218] : memref<32x256xf32, #tpu.memory_space<vmem>> -> memref<16x256xf32, #tpu.memory_space<vmem>>
    tpu.enqueue_dma source(%dma_start3A_219 : memref<16x256xf32, #tpu.memory_space<vmem>>) target(%dma_start3A_216 : memref<16x256xf32, #tpu.memory_space<hbm>>) target_semaphore(%arg18 : memref<!tpu.dma_semaphore, #tpu.memory_space<semaphore_mem>>)
    %dma_wait3A_220 = arith.constant 0 : i32
    %dma_wait3A_221 = arith.constant 0 : i32
    %dma_wait3A_222 = tpu.memref_slice %arg10[%dma_wait3A_220, %dma_wait3A_221] : memref<32x256xf32, #tpu.memory_space<vmem>> -> memref<16x256xf32, #tpu.memory_space<vmem>>
    %dma_wait3A_223 = arith.constant 0 : i32
    %dma_wait3A_224 = tpu.memref_slice %arg6[%add3A_183, %dma_wait3A_223] : memref<1024x256xf32, #tpu.memory_space<hbm>> -> memref<16x256xf32, #tpu.memory_space<hbm>>
    %dma_wait3A_225 = arith.constant 0 : i32
    %dma_wait3A_226 = tpu.memref_slice %arg6[%add3A_183, %dma_wait3A_225] : memref<1024x256xf32, #tpu.memory_space<hbm>> -> memref<16x256xf32, #tpu.memory_space<hbm>>
    %dma_wait3A_227 = arith.constant 0 : i32
    %dma_wait3A_228 = arith.constant 0 : i32
    %dma_wait3A_229 = tpu.memref_slice %arg10[%dma_wait3A_227, %dma_wait3A_228] : memref<32x256xf32, #tpu.memory_space<vmem>> -> memref<16x256xf32, #tpu.memory_space<vmem>>
    tpu.wait_dma2 semaphore(%arg18 : memref<!tpu.dma_semaphore, #tpu.memory_space<semaphore_mem>>) src(%dma_wait3A_229 : memref<16x256xf32, #tpu.memory_space<vmem>>) dst(%dma_wait3A_226 : memref<16x256xf32, #tpu.memory_space<hbm>>)
    %dma_wait3A_230 = arith.constant 16 : i32
    %dma_wait3A_231 = arith.constant 0 : i32
    %dma_wait3A_232 = tpu.memref_slice %arg10[%dma_wait3A_230, %dma_wait3A_231] : memref<32x256xf32, #tpu.memory_space<vmem>> -> memref<16x256xf32, #tpu.memory_space<vmem>>
    %dma_wait3A_233 = arith.constant 0 : i32
    %dma_wait3A_234 = tpu.memref_slice %arg6[%add3A_209, %dma_wait3A_233] : memref<1024x256xf32, #tpu.memory_space<hbm>> -> memref<16x256xf32, #tpu.memory_space<hbm>>
    %dma_wait3A_235 = arith.constant 0 : i32
    %dma_wait3A_236 = tpu.memref_slice %arg6[%add3A_209, %dma_wait3A_235] : memref<1024x256xf32, #tpu.memory_space<hbm>> -> memref<16x256xf32, #tpu.memory_space<hbm>>
    %dma_wait3A_237 = arith.constant 16 : i32
    %dma_wait3A_238 = arith.constant 0 : i32
    %dma_wait3A_239 = tpu.memref_slice %arg10[%dma_wait3A_237, %dma_wait3A_238] : memref<32x256xf32, #tpu.memory_space<vmem>> -> memref<16x256xf32, #tpu.memory_space<vmem>>
    tpu.wait_dma2 semaphore(%arg18 : memref<!tpu.dma_semaphore, #tpu.memory_space<semaphore_mem>>) src(%dma_wait3A_239 : memref<16x256xf32, #tpu.memory_space<vmem>>) dst(%dma_wait3A_236 : memref<16x256xf32, #tpu.memory_space<hbm>>)
    return
  }
}

</mosaic_0001>

<sc_bundles>
// kernel: kernel.3.cloned.1.call-start
scs
__scs_entry_jumppad:
0x0: {  	(pc) =	sbr.rel $0x88, $3  }
0x1: {  	(tag) =	ssettag $0x0;
	lr =	simm.s32 $0x1  }
0x2: {  	[smem:$0x3F9D] =	sst lr;
	_ =	strace $0xD0000000  }
0x3: {  	_ = 	snop  }
0x4: {  	_ = 	snop  }
0x5: {  	_ = 	snop  }
0x6: {  	_ = 	snop  }
0x7: {  	_ = 	snop  }
__scs_overlays_trampoline_lowered:
0x8: {  	[smem:$0x3FAC] =	sst s0  }
0x9: {  	[smem:$0x3FAD] =	sst s1  }
0xa: {  	[smem:$0x3FAE] =	sst s2  }
0xb: {  	[smem:$0x3FAF] =	sst s3  }
0xc: {  	[smem:$0x3FB0] =	sst s4  }
0xd: {  	[smem:$0x3FB1] =	sst s5  }
0xe: {  	[smem:$0x3FB2] =	sst s6  }
0xf: {  	[smem:$0x3FB3] =	sst s7  }
0x10: {  	[smem:$0x3FB4] =	sst s8  }
0x11: {  	[smem:$0x3FB5] =	sst s9;
	s0 =	simm.s32 @!p0 $0x0  }
0x12: {  	s1 =	sld [smem:$0x3F9B];
	s0 =	simm.s32 @p0 $0x1  }
0x13: {  	[smem:$0x3FB6] =	sst s0;
	s0 =	simm.s32 @!p1 $0x0  }
0x14: {  	s2 =	sld [smem:$0x3F9A];
	s0 =	simm.s32 @p1 $0x1  }
0x15: {  	[smem:$0x3FB7] =	sst s0;
	s0 =	simm.s32 @!p2 $0x0  }
0x16: {  	s3 =	sld [smem:$0x3FDB];
	s0 =	simm.s32 @p2 $0x1  }
0x17: {  	s4 =	simm.s32 $0x1BF5;
	[smem:$0x3FB9] =	sst s0  }
0x18: {  	s0 =	sld [smem:$0x3F9C];
	_ =	swait.ge [sflag:s4], $0x0  }
0x19: {  	s7 =	sld [smem:$0x3F9D]  }
0x1a: {  	s8 =	sadd.s32 $0xFFFFE003, lr  }
0x1b: {  	s9 =	sadd.s32 $0xFFFFFEF7, lr;
	s5 =	simm.s32 $0xFFFFFFFF;
	p2 =	slt.u32 s8, $0xFFFFF086  }
0x1c: {  	p1 =	slt.u32 s9, $0xF7A;
	s5 =	simm.s32 @!p2 $0x0  }
0x1d: {  	s5 =	simm.s32 @p1 $0x1;
	p0 =	seq.s32 s7, s2  }
0x1e: {  	s7 =	smul.u32 @!p0 $0xF7A, s2;
	p2 =	seq.s32 @!p0 s5, $0x0  }
0x1f: {  	s9 =	smul.u32 $0xF7A, s1;
	s8 =	simm.s32 @!p0 $0x1BF5;
	p2 =	por !p2, p0  }
0x20: {  	[sflag:s8] =	ssyncset.s32 @!p0 $0xFFFFF086;
	s6 =	sadd.s32 @!p0 s3, s7;
	s7 =	simm.s32 @!p0 $0x108  }
0x21: {  	s3 =	sadd.s32 s3, s9;
	s6 =	sadd.s32 @!p0 $0x88, s6;
	s7 =	simm.s32 @p2 $0x1082  }
0x22: {  	[simem:s7], [sflag:s8] =	dma.local @!p0 [hbm:s6], $0xF7A  }
0x23: {  	s9 =	sor.u32 $0xD0000000, s2;
	s6 =	simm.s32 $0x108;
	_ =	swait.ge @!p0 [sflag:s8], $0x0  }
0x24: {  	s3 =	sadd.s32 $0x88, s3;
	s6 =	simm.s32 @!p1 $0x1082;
	[sflag:s4] =	ssyncset.s32 $0xFFFFF086  }
0x25: {  	[simem:s6], [sflag:s4] =	dma.local [hbm:s3], $0xF7A  }
0x26: {  	[smem:$0x3F9D] =	sst s1;
	(tag) =	ssettag s2;
	_ =	strace s9  }
0x27: {  	s1 =	sld [smem:$0x3FAD]  }
0x28: {  	s2 =	sld [smem:$0x3FAE]  }
0x29: {  	s4 =	sld [smem:$0x3FB0]  }
0x2a: {  	p0 =	seq.s32 s5, $0x0;
	s5 =	sld [smem:$0x3FB1]  }
0x2b: {  	s6 =	sld [smem:$0x3FB2]  }
0x2c: {  	s7 =	sld [smem:$0x3FB3]  }
0x2d: {  	s3 =	simm.s32 $0x108;
	s8 =	sld [smem:$0x3FB4]  }
0x2e: {  	s3 =	simm.s32 @!p0 $0x1082;
	s9 =	sld [smem:$0x3FB5]  }
0x2f: {  	lr =	sadd.s32 s0, s3;
	s0 =	sld [smem:$0x3FAC]  }
0x30: {  	s3 =	sld [smem:$0x3FAF]  }
0x31: {  	[smem:$0x3FB8] =	sst s10  }
0x32: {  	s10 =	sld [smem:$0x3FB6];
	_ =	sdelay $0x3  }
0x33: {  	p0 =	seq.s32 s10, $0x1;
	s10 =	sld [smem:$0x3FB8];
	_ =	sdelay $0x3  }
0x34: {  	[smem:$0x3FB8] =	sst s10  }
0x35: {  	s10 =	sld [smem:$0x3FB7];
	_ =	sdelay $0x3  }
0x36: {  	p1 =	seq.s32 s10, $0x1;
	s10 =	sld [smem:$0x3FB8];
	_ =	sdelay $0x3  }
0x37: {  	[smem:$0x3FB8] =	sst s10  }
0x38: {  	s10 =	sld [smem:$0x3FB9]  }
0x39: {  	_ = 	snop;
	(pc) =	sbr.ind lr, $3  }
0x3a: {  	_ = 	snop  }
0x3b: {  	_ = 	snop  }
0x3c: {  	p2 =	seq.s32 s10, $0x1;
	s10 =	sld [smem:$0x3FB8]  }
0x3d: {  	_ =	shalt  }
0x3e: {  	_ =	shalt  }
0x3f: {  	_ =	shalt  }
0x40: {  	_ =	shalt  }
0x41: {  	_ =	shalt  }
0x42: {  	_ =	shalt  }
0x43: {  	_ =	shalt  }
0x44: {  	_ =	shalt  }
0x45: {  	_ =	shalt  }
0x46: {  	_ =	shalt  }
0x47: {  	_ =	shalt  }
0x48: {  	_ =	shalt  }
0x49: {  	_ =	shalt  }
0x4a: {  	_ =	shalt  }
0x4b: {  	_ =	shalt  }
0x4c: {  	_ =	shalt  }
0x4d: {  	_ =	shalt  }
0x4e: {  	_ =	shalt  }
0x4f: {  	_ =	shalt  }
0x50: {  	_ =	shalt  }
0x51: {  	_ =	shalt  }
0x52: {  	_ =	shalt  }
0x53: {  	_ =	shalt  }
0x54: {  	_ =	shalt  }
0x55: {  	_ =	shalt  }
0x56: {  	_ =	shalt  }
0x57: {  	_ =	shalt  }
0x58: {  	_ =	shalt  }
0x59: {  	_ =	shalt  }
0x5a: {  	_ =	shalt  }
0x5b: {  	_ =	shalt  }
0x5c: {  	_ =	shalt  }
0x5d: {  	_ =	shalt  }
0x5e: {  	_ =	shalt  }
0x5f: {  	_ =	shalt  }
0x60: {  	_ =	shalt  }
0x61: {  	_ =	shalt  }
0x62: {  	_ =	shalt  }
0x63: {  	_ =	shalt  }
0x64: {  	_ =	shalt  }
0x65: {  	_ =	shalt  }
0x66: {  	_ =	shalt  }
0x67: {  	_ =	shalt  }
0x68: {  	_ =	shalt  }
0x69: {  	_ =	shalt  }
0x6a: {  	_ =	shalt  }
0x6b: {  	_ =	shalt  }
0x6c: {  	_ =	shalt  }
0x6d: {  	_ =	shalt  }
0x6e: {  	_ =	shalt  }
0x6f: {  	_ =	shalt  }
0x70: {  	_ =	shalt  }
0x71: {  	_ =	shalt  }
0x72: {  	_ =	shalt  }
0x73: {  	_ =	shalt  }
0x74: {  	_ =	shalt  }
0x75: {  	_ =	shalt  }
0x76: {  	_ =	shalt  }
0x77: {  	_ =	shalt  }
0x78: {  	_ =	shalt  }
0x79: {  	_ =	shalt  }
0x7a: {  	_ =	shalt  }
0x7b: {  	_ =	shalt  }
0x7c: {  	_ =	shalt  }
0x7d: {  	_ =	shalt  }
0x7e: {  	_ =	shalt  }
0x7f: {  	_ =	shalt  }
0x80: {  	_ =	shalt  }
0x81: {  	_ =	shalt  }
0x82: {  	_ =	shalt  }
0x83: {  	_ =	shalt  }
0x84: {  	_ =	shalt  }
0x85: {  	_ =	shalt  }
0x86: {  	_ =	shalt  }
0x87: {  	_ =	shalt  }
.Lfunc_end0:
.L_simem_size_0:
called_computation_lowered:
.L_overlay_start_0:
0x88: {  	s2 =	sld [smem:$0x3FD9]  }
0x89: {  	s3 =	sld [smem:$0x3FFE];
	_ =	sdelay $0x1  }
0x8a: {  	s1 =	srdreg.scid  }
0x8b: {  	s0 =	sand.u32 $0x1, s1  }
0x8c: {  	s17 =	sshll.u32 s0, $0xA;
	s2 =	sadd.s32 s3, s2  }
0x8d: {  	s2 =	sadd.s32 s2, s17  }
0x8e: {  	[smem:$0x3FC4] =	sst s2  }
0x8f: {  	_ = 	snop  }
0x90: {  	s2 =	sld [smem:$0x3FC9]  }
0x91: {  	s18 =	sld [smem:$0x3FC8]  }
0x92: {  	s4 =	sld [smem:$0x3FC7]  }
0x93: {  	s5 =	sld [smem:$0x3FD0];
	(tm) =	ssettm $0x1  }
0x94: {  	s6 =	sld [smem:$0x3FFB];
	_ =	sdelay $0x3  }
0x95: {  	_ =	strace s6  }
0x96: {  	s6 =	sld [smem:$0x3FFC];
	_ =	sdelay $0x3  }
0x97: {  	_ =	strace s6  }
0x98: {  	s6 =	sld [smem:$0x3FFD];
	_ =	sdelay $0x3  }
0x99: {  	_ =	strace s6  }
0x9a: {  	_ =	strace $0x8FFFFFFF  }
0x9b: {  	s19 =	sld [smem:$0x3FDB];
	_ =	sdelay $0x1  }
0x9c: {  	s7 =	simm.s32 $_scs_section_size  }
0x9d: {  	s8 =	simm.s32 $_size__tile_overlayer_lowered;
	s9 =	simm.s32 $_tile_overlayer_lowered  }
0x9e: {  	s22 =	simm.s32 $0x1BFF;
	s21 =	sshll.u32 s9, $0x1;
	s6 =	sadd.s32 s7, s19  }
0x9f: {  	s10 =	simm.s32 $0x0;
	s20 =	sshll.u32 s8, $0x1;
	s8 =	sadd.s32 s21, s6  }
0xa0: {  	[timem:s10], [sflag:s22] =	dma.local [hbm:s8], s20  }
0xa1: {  	_ =	swait.ge [sflag:s22], s20  }
0xa2: {  	s7 =	ssub.s32 $0x0, s20;
	[sflag:s22] =	ssyncset.done $0x0  }
0xa3: {  	[sflag:s22] =	ssyncadd.s32 s7;
	_ =	sdelay $0x1  }
0xa4: {  	s23 =	simm.s32 $0x1B8B  }
0xa5: {  	_ =	swait.ge [sflag:s23], $0x1  }
0xa6: {  	[sflag:s23] =	ssyncset.done $0x0  }
0xa7: {  	s25 =	simm.s32 $0x1B8E;
	s24 =	sld [smem:$0x3FFE];
	[sflag:s23] =	ssyncadd.s32 $0xFFFFFFFF  }
0xa8: {  	s26 =	simm.s32 $execute0_lowered;
	[smem:$0x3FD2] =	sst s25  }
0xa9: {  	s8 =	sshll.u32 s26, $0x1;
	_ =	strace $0x80000046;
	[dreg:$0x1] =	wrdreg $0xFFFFFFFF  }
0xaa: {  	s28 =	simm.s32 $_size_execute0_lowered;
	s6 =	sadd.s32 s6, s8;
	[dreg:$0x0] =	wrdreg $0x0  }
0xab: {  	s8 =	sshll.u32 s28, $0x1;
	[dreg:$0x2] =	wrdreg s6  }
0xac: {  	[dreg:$0x3] =	wrdreg s8  }
0xad: {  	[dreg:$0x4] =	wrdreg $0xC0  }
0xae: {  	_ =	task [dreg:s10], $0x5FFFF  }
0xaf: {  	[dreg:$0x1] =	wrdreg $0xFFFFFFFF  }
0xb0: {  	[dreg:$0x0] =	wrdreg $0x60  }
0xb1: {  	[dreg:$0x2] =	wrdreg s2  }
0xb2: {  	[dreg:$0x3] =	wrdreg s18  }
0xb3: {  	[dreg:$0x4] =	wrdreg s24  }
0xb4: {  	[dreg:$0x5] =	wrdreg s4  }
0xb5: {  	[dreg:$0x6] =	wrdreg s5  }
0xb6: {  	[dreg:$0x7] =	wrdreg $0x9  }
0xb7: {  	_ =	task.clear_ibuf [dreg:s10], $0x8FFFF;
	_ =	strace $0x90000046  }
0xb8: {  	s29 =	simm.s32 $0x9;
	_ =	strace $0x80000048  }
0xb9: {  	_ =	swait.ge [sflag:s29], $0x1  }
0xba: {  	[sflag:s29] =	ssyncadd.s32 $0xFFFFFFFF  }
0xbb: {  	_ =	strace $0x90000048  }
0xbc: {  	_ =	sfence  }
0xbd: {  	s30 =	sld [smem:$0x0];
	_ =	sdelay $0x2  }
0xbe: {  	s31 =	sshll.u32 s1, $0xD;
	s1 =	sshrl.u32 s1, $0x2  }
0xbf: {  	s3 =	sand.u32 $0x4000, s31;
	s1 =	sadd.s32 s1, s30  }
0xc0: {  	s0 =	sor.u32 s3, s0;
	s1 =	sshll.u32 s1, $0x11  }
0xc1: {  	s0 =	sor.u32 s1, s0  }
0xc2: {  	s0 =	sadd.s32 $0x8F2B, s0  }
0xc3: {  	[sflag:s0] =	ssyncadd.remote.s32 $0x1  }
0xc4: {  	_ =	sfence.sel $0xFFFF  }
0xc5: {  	[dreg:$0x0] =	wrdreg $0xFFFFFFFF;
	(pc) =	sbr.abs _section_cstart, $3  }
0xc6: {  	[dreg:$0x1] =	wrdreg $0xFFFFFFFF  }
0xc7: {  	_ =	task.clear_ibuf [dreg:s10], $0x2FFFF;
	_ =	strace $0x9FFFFFFF  }
0xc8: {  	(tm) =	ssettm $0x7FFFFFFF  }
0xc9: {  	_ =	shalt  }
tec
execute0_lowered:
.L_overlay_start_1:
0x0: {  	(tag) =	ssettag $0x1  }
0x1: {  	s2 =	rddreg [dreg:$0x0]  }
0x2: {  	s1 =	rddreg [dreg:$0x1]  }
0x3: {  	s0 =	srdreg.scid;
	s5 =	rddreg [dreg:$0x2]  }
0x4: {  	s4 =	stileid.u32;
	s8 =	rddreg [dreg:$0x3]  }
0x5: {  	s9 =	rddreg [dreg:$0x4];
	s13 =	simm.s32 $0x400;
	s14 =	simm.s32 $0x2000  }
0x6: {  	s16 =	simm.s32 $0x1C00;
	s19 =	simm.s32 $0x2;
	s20 =	simm.s32 $0x5800  }
0x7: {  	s22 =	simm.s32 $0x6800;
	s23 =	simm.s32 $0x7000;
	s24 =	simm.s32 $0x3  }
0x8: {  	s25 =	simm.s32 $0x4;
	s26 =	simm.s32 $0x7880;
	s0 =	sand.u32 $0x1, s0  }
0x9: {  	s28 =	simm.s32 $0x5;
	s29 =	simm.s32 $0x6;
	s3 =	sshll.u32 s0, $0x4  }
0xa: {  	s30 =	simm.s32 $0x0;
	s7 =	sand.u32 $0x3, s4;
	s6 =	sor.u32 s4, s3  }
0xb: {  	p1 =	sne.s32 s7, $0x0;
	s0 =	ssub.s32 $0x2, s0;
	p0 =	seq.s32 s6, $0x0  }
0xc: {  	s21 =	sshll.u32 s7, $0x5;
	s4 =	simm.s32 $0x1;
	p0 =	por !p1, !p0  }
0xd: {  	s3 =	simm.s32 $0x0;
	s11 =	sshrl.u32 s0, $0x1;
	p0 =	por !p0, !p0  }
0xe: {  	s10 =	sshrl.u32 s6, $0x2;
	s15 =	sshll.u32 s6, $0x5;
	s4 =	simm.s32 @!p0 $0x0  }
0xf: {  	v7 =	vlaneseq.u32;
	[smem:$0x7FF] =	sst s3;
	s0 =	ssub.s32 s0, s11;
	v2 =	vmov s15;
	s4 =	ssub.s32 s10, s4  }
0x10: {  	s31 =	sshll.u32 s6, $0xA;
	_ =	strace $0x80000047;
	v3 =	vshll.u32 v2, $0x9;
	v2 =	vor.u32 $0x10, v7;
	s10 =	sshll.u32 s4, $0x7  }
0x11: {  	v1 =	vmul.u32 $0x200, v7;
	v0 =	vor.u32 s21, v7;
	v2 =	vor.u32 s21, v2;
	s21 =	simm.s32 $0x6000;
	s4 =	simm.s32 $0x1;
	s10 =	sand.u32 $0x1FFFFF80, s10  }
0x12: {  	vm0 =	vmmov $0xffff;
	v6 =	vshrl.u32 v7, $0x3;
	v5 =	vand.u32 $0x7, v7;
	s12 =	sadd.s32 s10, s5;
	s7 =	sadd.s32 s8, s10;
	s8 =	sadd.s32 s9, s31  }
0x13: {  	v6 =	vmul.u32 $0x8, v6;
	v4 =	vor.u32 $0x2000, v1;
	v7 =	vor.u32 $0x8, v7;
	s10 =	sadd.s32 s2, s31;
	s5 =	sadd.s32 $0x400, s12;
	s6 =	sadd.s32 $0x1C00, s12  }
0x14: {  	v1 =	vor.u32 v1, v3;
	v3 =	vor.u32 v4, v3;
	v4 =	vimm.s32 $0x0;
	s9 =	sadd.s32 $0x1800, s7;
	s11 =	sadd.s32 $0x200, s8;
	s12 =	smax.u32 s0, $0x1  }
.LBB2_1:
0x15: {  	[tilespmem:s3], [sflag:$0x1] =	stream.strided.gather [hbm4b:s5+s13], $0x1800, s14, s13, $0x38;
	[tilespmem:$0x7900] =	vst v63  }
0x16: {  	s0 =	simm.s32 $0x1800  }
0x17: {  	[tilespmem:s0], [sflag:$0x1] =	stream.linear.gather [hbm4b:s6+s3], $0x100, $0x38;
	[tilespmem:$0x7900] =	vst v63  }
0x18: {  	_ = 	snop  }
0x19: {  	[tilespmem:s16], [sflag:$0x2] =	stream.strided.gather [hbm4b:s7+s13], $0x1800, s14, s13, $0x38;
	[tilespmem:$0x7900] =	vst v63  }
0x1a: {  	s15 =	simm.s32 $0x3400;
	s18 =	simm.s32 $0x0  }
0x1b: {  	[tilespmem:s15], [sflag:$0x2] =	stream.linear.gather [hbm4b:s9+s3], $0x100, $0x38;
	[tilespmem:$0x7900] =	vst v63  }
0x1c: {  	s17 =	simm.s32 $0x3800;
	s31 =	simm.s32 $0x80;
	s2 =	simm.s32 $0x100;
	v8 =	vor.u32 s18, v0  }
0x1d: {  	v10 =	vor.u32 s31, v0;
	[tilespmem:s17], [sflag:$0x3] =	stream.linear.gather [hbm4b:s10+s3], $0x2000, $0x38;
	[tilespmem:$0x7900] =	vst v63  }
0x1e: {  	v11 =	vor.u32 s2, v0;
	s15 =	simm.s32 $0x180;
	_ =	swait.ge [sflag:s4], $0x1900  }
0x1f: {  	s2 =	simm.s32 $0x200;
	v13 =	vor.u32 s15, v0;
	[sflag:s4] =	ssyncset.done $0x0  }
0x20: {  	v17 =	vor.u32 s2, v0;
	[sflag:s4] =	ssyncadd.s32 $0xFFFFE700  }
0x21: {  	s17 =	simm.s32 $0x280;
	v9 =	vld.idx.msk [tilespmem:v8+s3+$0x0], $0xffff  }
0x22: {  	s18 =	simm.s32 $0x300;
	v14 =	vor.u32 s17, v0;
	v8 =	vld.idx.msk [tilespmem:v10+s3+$0x0], $0xffff  }
0x23: {  	s31 =	simm.s32 $0x380;
	v12 =	vor.u32 s18, v0;
	v10 =	vld.idx.msk [tilespmem:v11+s3+$0x0], $0xffff  }
0x24: {  	v15 =	vor.u32 s31, v0;
	s15 =	simm.s32 $0x400;
	v11 =	vld.idx.msk [tilespmem:v13+s3+$0x0], $0xffff  }
0x25: {  	s0 =	simm.s32 $0x480;
	s2 =	simm.s32 $0xE;
	v16 =	vor.u32 s15, v0;
	v13 =	vld.idx.msk [tilespmem:v17+s3+$0x0], $0xffff;
	v17 =	vimm.s32 $0x0  }
.LBB2_2:
0x26: {  	p0 =	sne.s32 s2, $0x31;
	v18 =	vor.u32 s0, v0;
	s0 =	sshll.u32 s2, $0x7;
	s2 =	sadd.s32 $0x5, s2  }
.Ltmp0:
0x27: {  	v17 =	vadd.s32 v17, v9;
	s15 =	sadd.s32 $0xFFFFFE00, s0;
	v9 =	vld.idx.msk [tilespmem:v14+s3+$0x0], $0xffff;
	(pc) =	sbr.rel @p0 .LBB2_2-.Ltmp0, $4  }
0x28: {  	v17 =	vadd.s32 v8, v17;
	v14 =	vor.u32 s15, v0;
	s15 =	sadd.s32 $0xFFFFFE80, s0;
	v8 =	vld.idx.msk [tilespmem:v12+s3+$0x0], $0xffff  }
0x29: {  	v17 =	vadd.s32 v10, v17;
	v12 =	vor.u32 s15, v0;
	s15 =	sadd.s32 $0xFFFFFF00, s0;
	v10 =	vld.idx.msk [tilespmem:v15+s3+$0x0], $0xffff  }
0x2a: {  	v17 =	vadd.s32 v11, v17;
	v15 =	vor.u32 s15, v0;
	s15 =	sadd.s32 $0xFFFFFF80, s0;
	v11 =	vld.idx.msk [tilespmem:v16+s3+$0x0], $0xffff  }
0x2b: {  	v17 =	vadd.s32 v13, v17;
	v16 =	vor.u32 s15, v0;
	v13 =	vld.idx.msk [tilespmem:v18+s3+$0x0], $0xffff  }
0x2c: {  	_ =	sdelay $0x2  }
0x2d: {  	v18 =	vor.u32 s0, v0  }
0x2e: {  	v14 =	vld.idx.msk [tilespmem:v14+s3+$0x0], $0xffff;
	v9 =	vadd.s32 v17, v9  }
0x2f: {  	v12 =	vld.idx.msk [tilespmem:v12+s3+$0x0], $0xffff;
	v8 =	vadd.s32 v8, v9  }
0x30: {  	v9 =	vld.idx.msk [tilespmem:v15+s3+$0x0], $0xffff;
	v8 =	vadd.s32 v10, v8  }
0x31: {  	v10 =	vld.idx.msk [tilespmem:v16+s3+$0x0], $0xffff;
	v8 =	vadd.s32 v11, v8  }
0x32: {  	v8 =	vadd.s32 v13, v8;
	v11 =	vld.idx.msk [tilespmem:v18+s3+$0x0], $0xffff  }
0x33: {  	v8 =	vadd.s32 v8, v14  }
0x34: {  	v8 =	vadd.s32 v12, v8  }
0x35: {  	v8 =	vadd.s32 v9, v8  }
0x36: {  	v8 =	vadd.s32 v10, v8  }
0x37: {  	v8 =	vadd.s32 v11, v8  }
0x38: {  	v9 =	vadd.s32 $0xFFFFFFFF, v8  }
0x39: {  	vm1 =	vgt.s32 v9, $0x0  }
0x3a: {  	v9 =	vnsel vm1, $0x0, v9  }
0x3b: {  	v9 =	vmin.u32 v9, $0x31  }
0x3c: {  	v9 =	vshll.u32 v9, $0x7  }
0x3d: {  	v9 =	vor.u32 v0, v9;
	_ =	sdelay $0x1  }
0x3e: {  	_ =	swait.ge [sflag:s19], $0x1900  }
0x3f: {  	[sflag:s19] =	ssyncset.done $0x0  }
0x40: {  	[sflag:s19] =	ssyncadd.s32 $0xFFFFE700  }
0x41: {  	v9 =	vld.idx.msk [tilespmem:v9+s16+$0x0], $0xffff;
	_ =	sdelay $0x4  }
0x42: {  	v9 =	vadd.s32 v1, v9  }
0x43: {  	[tilespmem:$0x7800] =	vst v9  }
0x44: {  	v9 =	vld [tilespmem:$0x7800];
	_ =	sdelay $0x4  }
0x45: {  	v10 =	vshll.u32 v9, $0x1  }
0x46: {  	v9 =	vand.u32 $0x7, v9;
	v10 =	vand.u32 $0xFFFFFFF0, v10  }
0x47: {  	v9 =	vor.u32 v9, v10  }
0x48: {  	vm1 =	vne.s32 v8, $0x0;
	v10 =	vperm.xlane v9, v5  }
0x49: {  	v8 =	vsel vm1, $0x3F800000, v4  }
0x4a: {  	[tilespmem:$0x7880] =	vst v8;
	v8 =	vperm.xlane v9, v7;
	v10 =	vadd.s32 v6, v10;
	_ =	sdelay $0x1  }
0x4b: {  	s18 =	simm.s32 $0x0;
	v8 =	vadd.s32 v6, v8  }
0x4c: {  	s2 =	simm.s32 $0x100;
	v9 =	vor.u32 s18, v2  }
0x4d: {  	s31 =	simm.s32 $0x80;
	s15 =	simm.s32 $0x180;
	v12 =	vor.u32 s2, v2  }
0x4e: {  	v11 =	vor.u32 s31, v2;
	[tilespmem:s20], [sflag:$0x4] =	stream.indirect_vreg.gather [hbm4b:s1+s3], $0x80, v10, vm0, $0xb8;
	[tilespmem:$0x7900] =	vst v63  }
0x4f: {  	v13 =	vor.u32 s15, v2;
	s2 =	simm.s32 $0x200  }
0x50: {  	v18 =	vor.u32 s2, v2;
	[tilespmem:s21], [sflag:$0x4] =	stream.indirect_vreg.gather [hbm4b:s1+s3], $0x80, v8, vm0, $0xb8;
	[tilespmem:$0x7900] =	vst v63  }
0x51: {  	s17 =	simm.s32 $0x280;
	v10 =	vld.idx.msk [tilespmem:v9+s3+$0x0], $0xffff  }
0x52: {  	s18 =	simm.s32 $0x300;
	v9 =	vld.idx.msk [tilespmem:v12+s3+$0x0], $0xffff;
	v12 =	vor.u32 s17, v2  }
0x53: {  	s31 =	simm.s32 $0x380;
	v14 =	vor.u32 s18, v2;
	v8 =	vld.idx.msk [tilespmem:v11+s3+$0x0], $0xffff  }
0x54: {  	s15 =	simm.s32 $0x400;
	v15 =	vor.u32 s31, v2;
	v11 =	vld.idx.msk [tilespmem:v13+s3+$0x0], $0xffff  }
0x55: {  	v17 =	vimm.s32 $0x0;
	s0 =	simm.s32 $0x480;
	v16 =	vor.u32 s15, v2;
	s2 =	simm.s32 $0xE;
	v13 =	vld.idx.msk [tilespmem:v18+s3+$0x0], $0xffff  }
.LBB2_4:
0x56: {  	p0 =	sne.s32 s2, $0x31;
	v18 =	vor.u32 s0, v2;
	s0 =	sshll.u32 s2, $0x7;
	s2 =	sadd.s32 $0x5, s2  }
.Ltmp1:
0x57: {  	v17 =	vadd.s32 v17, v10;
	s15 =	sadd.s32 $0xFFFFFE00, s0;
	v10 =	vld.idx.msk [tilespmem:v12+s3+$0x0], $0xffff;
	(pc) =	sbr.rel @p0 .LBB2_4-.Ltmp1, $4  }
0x58: {  	v17 =	vadd.s32 v8, v17;
	v12 =	vor.u32 s15, v2;
	s15 =	sadd.s32 $0xFFFFFE80, s0;
	v8 =	vld.idx.msk [tilespmem:v14+s3+$0x0], $0xffff  }
0x59: {  	v17 =	vadd.s32 v9, v17;
	v14 =	vor.u32 s15, v2;
	s15 =	sadd.s32 $0xFFFFFF00, s0;
	v9 =	vld.idx.msk [tilespmem:v15+s3+$0x0], $0xffff  }
0x5a: {  	v17 =	vadd.s32 v11, v17;
	v15 =	vor.u32 s15, v2;
	s15 =	sadd.s32 $0xFFFFFF80, s0;
	v11 =	vld.idx.msk [tilespmem:v16+s3+$0x0], $0xffff  }
0x5b: {  	v17 =	vadd.s32 v13, v17;
	v16 =	vor.u32 s15, v2;
	v13 =	vld.idx.msk [tilespmem:v18+s3+$0x0], $0xffff  }
0x5c: {  	_ =	sdelay $0x2  }
0x5d: {  	v18 =	vor.u32 s0, v2  }
0x5e: {  	v12 =	vld.idx.msk [tilespmem:v12+s3+$0x0], $0xffff;
	v10 =	vadd.s32 v17, v10  }
0x5f: {  	v14 =	vld.idx.msk [tilespmem:v14+s3+$0x0], $0xffff;
	v8 =	vadd.s32 v8, v10  }
0x60: {  	v10 =	vld.idx.msk [tilespmem:v15+s3+$0x0], $0xffff;
	v8 =	vadd.s32 v9, v8  }
0x61: {  	v9 =	vld.idx.msk [tilespmem:v16+s3+$0x0], $0xffff;
	v8 =	vadd.s32 v11, v8  }
0x62: {  	v8 =	vadd.s32 v13, v8;
	v11 =	vld.idx.msk [tilespmem:v18+s3+$0x0], $0xffff  }
0x63: {  	v8 =	vadd.s32 v8, v12  }
0x64: {  	v8 =	vadd.s32 v14, v8  }
0x65: {  	v8 =	vadd.s32 v10, v8  }
0x66: {  	v8 =	vadd.s32 v9, v8  }
0x67: {  	v8 =	vadd.s32 v11, v8  }
0x68: {  	v9 =	vadd.s32 $0xFFFFFFFF, v8  }
0x69: {  	vm1 =	vgt.s32 v9, $0x0  }
0x6a: {  	v9 =	vnsel vm1, $0x0, v9  }
0x6b: {  	v9 =	vmin.u32 v9, $0x31  }
0x6c: {  	v9 =	vshll.u32 v9, $0x7  }
0x6d: {  	v9 =	vor.u32 v2, v9;
	_ =	sdelay $0x4  }
0x6e: {  	v9 =	vld.idx.msk [tilespmem:v9+s16+$0x0], $0xffff;
	_ =	sdelay $0x4  }
0x6f: {  	v9 =	vadd.s32 v3, v9  }
0x70: {  	[tilespmem:$0x7810] =	vst v9  }
0x71: {  	v9 =	vld [tilespmem:$0x7810];
	_ =	sdelay $0x4  }
0x72: {  	v10 =	vshll.u32 v9, $0x1  }
0x73: {  	v9 =	vand.u32 $0x7, v9;
	v10 =	vand.u32 $0xFFFFFFF0, v10  }
0x74: {  	v9 =	vor.u32 v9, v10  }
0x75: {  	v10 =	vperm.xlane v9, v5;
	_ =	sdelay $0x1  }
0x76: {  	v9 =	vperm.xlane v9, v7;
	v10 =	vadd.s32 v6, v10;
	_ =	sdelay $0x1  }
0x77: {  	vm1 =	vne.s32 v8, $0x0;
	v8 =	vadd.s32 v6, v9  }
0x78: {  	v9 =	vsel vm1, $0x3F800000, v4  }
0x79: {  	s2 =	simm.s32 $0x0;
	[tilespmem:$0x7890] =	vst v9  }
0x7a: {  	[tilespmem:s22], [sflag:$0x5] =	stream.indirect_vreg.gather [hbm4b:s1+s2], $0x80, v10, vm0, $0xb8;
	[tilespmem:$0x7900] =	vst v63  }
0x7b: {  	_ = 	snop  }
0x7c: {  	[tilespmem:s23], [sflag:$0x5] =	stream.indirect_vreg.gather [hbm4b:s1+s2], $0x80, v8, vm0, $0xb8;
	[tilespmem:$0x7900] =	vst v63  }
0x7d: {  	_ =	swait.ge [sflag:s24], $0x2000  }
0x7e: {  	[sflag:s24] =	ssyncset.done $0x0  }
0x7f: {  	[sflag:s24] =	ssyncadd.s32 $0xFFFFE000  }
0x80: {  	_ =	swait.ge [sflag:s25], $0x1000  }
0x81: {  	s18 =	sand.u32 $0x800, s2;
	s15 =	sand.u32 $0x380, s2;
	[sflag:s25] =	ssyncset.done $0x0  }
0x82: {  	s31 =	sor.u32 s15, s18;
	[sflag:s25] =	ssyncadd.s32 $0xFFFFF000  }
0x83: {  	v19 =	vld [tilespmem:s31+$0x3800]  }
0x84: {  	v23 =	vld [tilespmem:s31+$0x3810]  }
0x85: {  	v21 =	vld [tilespmem:s31+$0x3820]  }
0x86: {  	v22 =	vld [tilespmem:s31+$0x3830]  }
0x87: {  	v20 =	vld [tilespmem:s31+$0x3840]  }
0x88: {  	v17 =	vld [tilespmem:s31+$0x3850]  }
0x89: {  	v16 =	vld [tilespmem:s31+$0x3860]  }
0x8a: {  	v15 =	vld [tilespmem:s31+$0x3870]  }
0x8b: {  	v13 =	vld [tilespmem:s31+$0x3C00]  }
0x8c: {  	v14 =	vld [tilespmem:s31+$0x3C10]  }
0x8d: {  	v12 =	vld [tilespmem:s31+$0x3C20]  }
0x8e: {  	v10 =	vld [tilespmem:s31+$0x3C30]  }
0x8f: {  	v8 =	vld [tilespmem:s31+$0x3C40]  }
0x90: {  	v9 =	vld [tilespmem:s31+$0x3C50]  }
0x91: {  	v11 =	vld [tilespmem:s31+$0x5C70]  }
0x92: {  	s0 =	simm.s32 $0x1;
	v24 =	vmov s2;
	s15 =	simm.s32 $0x0;
	v18 =	vld [tilespmem:s31+$0x5C50]  }
.LBB2_6:
0x93: {  	p0 =	sne.s32 s0, $0xF;
	v25 =	vld [tilespmem:s31+$0x5C10]  }
0x94: {  	v26 =	vld [tilespmem:s31+$0x5870]  }
0x95: {  	v27 =	vld [tilespmem:s31+$0x5830]  }
0x96: {  	v28 =	vld [tilespmem:s31+$0x5810]  }
0x97: {  	v24 =	vld.idx.msk [tilespmem:v24+s26+$0x0], $0xffff  }
0x98: {  	v29 =	vld [tilespmem:s31+$0x5800]  }
0x99: {  	v30 =	vld [tilespmem:s31+$0x5820]  }
0x9a: {  	v31 =	vld [tilespmem:s31+$0x5840]  }
0x9b: {  	v32 =	vld [tilespmem:s31+$0x5850]  }
0x9c: {  	v33 =	vld [tilespmem:s31+$0x5860]  }
0x9d: {  	v28 =	vmul.f32 v28, v24;
	v29 =	vmul.f32 v29, v24;
	v34 =	vld [tilespmem:s31+$0x5C00]  }
0x9e: {  	v27 =	vmul.f32 v27, v24;
	v30 =	vmul.f32 v30, v24;
	v35 =	vld [tilespmem:s31+$0x5C20]  }
0x9f: {  	v23 =	vadd.f32 v28, v23;
	v19 =	vadd.f32 v29, v19;
	v28 =	vmul.f32 v31, v24;
	v29 =	vld [tilespmem:s31+$0x5C30]  }
0xa0: {  	v22 =	vadd.f32 v27, v22;
	v21 =	vadd.f32 v30, v21;
	v27 =	vmul.f32 v32, v24;
	v30 =	vld [tilespmem:s31+$0x5C40]  }
0xa1: {  	s2 =	sadd.s32 $0x80, s2;
	s15 =	sadd.s32 $0x100, s15;
	v26 =	vmul.f32 v26, v24;
	[tilespmem:s31+$0x5800] =	vst v19;
	v20 =	vadd.f32 v28, v20;
	v19 =	vmul.f32 v33, v24;
	v28 =	vld [tilespmem:s31+$0x5C60]  }
0xa2: {  	s17 =	sand.u32 $0x800, s15;
	s18 =	sand.u32 $0x380, s2;
	v25 =	vmul.f32 v25, v24;
	[tilespmem:s31+$0x5810] =	vst v23;
	v17 =	vadd.f32 v27, v17;
	v23 =	vmul.f32 v34, v24;
	v27 =	vld [tilespmem:s31+$0x3C60]  }
0xa3: {  	s17 =	sor.u32 s18, s17;
	v15 =	vadd.f32 v26, v15;
	[tilespmem:s31+$0x5820] =	vst v21;
	v16 =	vadd.f32 v19, v16;
	v21 =	vmul.f32 v35, v24;
	v26 =	vld [tilespmem:s31+$0x3C70]  }
0xa4: {  	v14 =	vadd.f32 v25, v14;
	v19 =	vld [tilespmem:s17+$0x3800];
	[tilespmem:s31+$0x5830] =	vst v22;
	v13 =	vadd.f32 v23, v13;
	v22 =	vmul.f32 v29, v24  }
0xa5: {  	v18 =	vmul.f32 v18, v24;
	v23 =	vld [tilespmem:s17+$0x3810];
	[tilespmem:s31+$0x5840] =	vst v20;
	v12 =	vadd.f32 v21, v12;
	v20 =	vmul.f32 v30, v24  }
0xa6: {  	v11 =	vmul.f32 v11, v24;
	v21 =	vld [tilespmem:s17+$0x3820];
	[tilespmem:s31+$0x5850] =	vst v17;
	v10 =	vadd.f32 v22, v10;
	v17 =	vmul.f32 v28, v24  }
0xa7: {  	v9 =	vadd.f32 v18, v9;
	v22 =	vld [tilespmem:s17+$0x3830];
	[tilespmem:s31+$0x5860] =	vst v16;
	v8 =	vadd.f32 v20, v8  }
0xa8: {  	v20 =	vld [tilespmem:s17+$0x3840];
	[tilespmem:s31+$0x5870] =	vst v15;
	v18 =	vadd.f32 v17, v27;
	v11 =	vadd.f32 v11, v26  }
0xa9: {  	v17 =	vld [tilespmem:s17+$0x3850];
	[tilespmem:s31+$0x5C00] =	vst v13  }
0xaa: {  	v16 =	vld [tilespmem:s17+$0x3860];
	[tilespmem:s31+$0x5C10] =	vst v14  }
0xab: {  	v15 =	vld [tilespmem:s17+$0x3870];
	[tilespmem:s31+$0x5C20] =	vst v12  }
0xac: {  	v13 =	vld [tilespmem:s17+$0x3C00];
	[tilespmem:s31+$0x5C30] =	vst v10  }
0xad: {  	v14 =	vld [tilespmem:s17+$0x3C10];
	[tilespmem:s31+$0x5C40] =	vst v8  }
0xae: {  	v12 =	vld [tilespmem:s17+$0x3C20];
	[tilespmem:s31+$0x5C50] =	vst v9  }
.Ltmp2:
0xaf: {  	v10 =	vld [tilespmem:s17+$0x3C30];
	[tilespmem:s31+$0x5C60] =	vst v18;
	(pc) =	sbr.rel @p0 .LBB2_6-.Ltmp2, $4  }
0xb0: {  	v8 =	vld [tilespmem:s17+$0x3C40];
	[tilespmem:s31+$0x5C70] =	vst v11;
	s31 =	smov.u32 s17  }
0xb1: {  	v9 =	vld [tilespmem:s31+$0x3C50]  }
0xb2: {  	v11 =	vld [tilespmem:s31+$0x5C70]  }
0xb3: {  	v24 =	vmov s0;
	s0 =	sadd.s32 $0x1, s0;
	v18 =	vld [tilespmem:s31+$0x5C50]  }
0xb4: {  	_ =	sdelay $0x3  }
0xb5: {  	v24 =	vld.idx.msk [tilespmem:v24+s26+$0x0], $0xffff  }
0xb6: {  	v25 =	vld [tilespmem:s31+$0x5800]  }
0xb7: {  	v26 =	vld [tilespmem:s31+$0x5810]  }
0xb8: {  	v28 =	vld [tilespmem:s31+$0x5820]  }
0xb9: {  	v29 =	vld [tilespmem:s31+$0x5870]  }
0xba: {  	v30 =	vld [tilespmem:s31+$0x5830]  }
0xbb: {  	v31 =	vld [tilespmem:s31+$0x5840];
	v25 =	vmul.f32 v25, v24  }
0xbc: {  	v32 =	vld [tilespmem:s31+$0x5850];
	v26 =	vmul.f32 v26, v24  }
0xbd: {  	v28 =	vmul.f32 v28, v24;
	v19 =	vadd.f32 v25, v19;
	v25 =	vld [tilespmem:s31+$0x5860]  }
0xbe: {  	v29 =	vmul.f32 v29, v24;
	v23 =	vadd.f32 v26, v23;
	v26 =	vld [tilespmem:s31+$0x5C00]  }
0xbf: {  	v27 =	vld [tilespmem:s31+$0x5C10];
	v21 =	vadd.f32 v28, v21;
	[tilespmem:s31+$0x5800] =	vst v19;
	v19 =	vmul.f32 v30, v24  }
0xc0: {  	v61 =	vld [tilespmem:s31+$0x5C20];
	v15 =	vadd.f32 v29, v15;
	[tilespmem:s31+$0x5810] =	vst v23;
	v23 =	vmul.f32 v31, v24  }
0xc1: {  	v63 =	vld [tilespmem:s31+$0x5C30];
	[tilespmem:s31+$0x5820] =	vst v21;
	v19 =	vadd.f32 v19, v22;
	v22 =	vmul.f32 v32, v24  }
0xc2: {  	[tilespmem:s31+$0x5870] =	vst v15;
	v20 =	vadd.f32 v23, v20;
	v21 =	vmul.f32 v25, v24;
	v25 =	vld [tilespmem:s31+$0x5C40]  }
0xc3: {  	v17 =	vadd.f32 v22, v17;
	[tilespmem:s31+$0x5830] =	vst v19;
	v19 =	vmul.f32 v26, v24  }
0xc4: {  	[tilespmem:s31+$0x5840] =	vst v20;
	v20 =	vld [tilespmem:s31+$0x5C60];
	v16 =	vadd.f32 v21, v16;
	v21 =	vmul.f32 v27, v24  }
0xc5: {  	[tilespmem:s31+$0x5850] =	vst v17;
	v17 =	vmul.f32 v61, v24;
	v13 =	vadd.f32 v19, v13  }
0xc6: {  	v62 =	vld [tilespmem:s31+$0x3C60];
	[tilespmem:s31+$0x5860] =	vst v16;
	v14 =	vadd.f32 v21, v14;
	v16 =	vmul.f32 v63, v24  }
0xc7: {  	v23 =	vld [tilespmem:s31+$0x3C70];
	v12 =	vadd.f32 v17, v12;
	v15 =	vmul.f32 v25, v24;
	[tilespmem:s31+$0x5C00] =	vst v13  }
0xc8: {  	v13 =	vmul.f32 v18, v24;
	v10 =	vadd.f32 v16, v10;
	[tilespmem:s31+$0x5C10] =	vst v14  }
0xc9: {  	v14 =	vmul.f32 v20, v24;
	v8 =	vadd.f32 v15, v8;
	[tilespmem:s31+$0x5C20] =	vst v12  }
0xca: {  	v11 =	vmul.f32 v11, v24;
	v9 =	vadd.f32 v13, v9;
	[tilespmem:s31+$0x5C30] =	vst v10  }
0xcb: {  	v10 =	vadd.f32 v14, v62;
	[tilespmem:s31+$0x5C40] =	vst v8  }
0xcc: {  	v8 =	vadd.f32 v11, v23;
	[tilespmem:s31+$0x5C50] =	vst v9  }
0xcd: {  	[tilespmem:s31+$0x5C60] =	vst v10  }
0xce: {  	[tilespmem:s31+$0x5C70] =	vst v8  }
0xcf: {  	[hbm4b:s8+s3] =	stream.linear.scatter [tilespmem:s20], [sflag:$0x6], $0x1000, $0x38;
	[tilespmem:$0x7900] =	vst v63  }
0xd0: {  	s2 =	simm.s32 $0x800;
	s0 =	simm.s32 $0x1000;
	_ =	swait.ge [sflag:s28], $0x1000  }
0xd1: {  	s15 =	sand.u32 $0x1800, s0;
	s17 =	sand.u32 $0x380, s2;
	[sflag:s28] =	ssyncset.done $0x0  }
0xd2: {  	s31 =	sor.u32 s17, s15;
	[sflag:s28] =	ssyncadd.s32 $0xFFFFF000  }
0xd3: {  	v19 =	vld [tilespmem:s31+$0x3800]  }
0xd4: {  	v23 =	vld [tilespmem:s31+$0x3810]  }
0xd5: {  	v21 =	vld [tilespmem:s31+$0x3820]  }
0xd6: {  	v22 =	vld [tilespmem:s31+$0x3830]  }
0xd7: {  	v20 =	vld [tilespmem:s31+$0x3840]  }
0xd8: {  	v17 =	vld [tilespmem:s31+$0x3850]  }
0xd9: {  	v16 =	vld [tilespmem:s31+$0x3860]  }
0xda: {  	v15 =	vld [tilespmem:s31+$0x3870]  }
0xdb: {  	v13 =	vld [tilespmem:s31+$0x3C00]  }
0xdc: {  	v14 =	vld [tilespmem:s31+$0x3C10]  }
0xdd: {  	v11 =	vld [tilespmem:s31+$0x3C20]  }
0xde: {  	v10 =	vld [tilespmem:s31+$0x3C30]  }
0xdf: {  	v8 =	vld [tilespmem:s31+$0x3C40]  }
0xe0: {  	v9 =	vld [tilespmem:s31+$0x3C50]  }
0xe1: {  	s18 =	simm.s32 $0x10;
	v12 =	vld [tilespmem:s31+$0x5C70]  }
0xe2: {  	v24 =	vmov s18;
	s15 =	simm.s32 $0x11;
	v18 =	vld [tilespmem:s31+$0x5C50]  }
.LBB2_8:
0xe3: {  	p0 =	sne.s32 s15, $0x1F;
	v25 =	vld [tilespmem:s31+$0x5C10]  }
0xe4: {  	v26 =	vld [tilespmem:s31+$0x5870]  }
0xe5: {  	v27 =	vld [tilespmem:s31+$0x5830]  }
0xe6: {  	v28 =	vld [tilespmem:s31+$0x5810]  }
0xe7: {  	v24 =	vld.idx.msk [tilespmem:v24+s26+$0x0], $0xffff  }
0xe8: {  	v29 =	vld [tilespmem:s31+$0x5800]  }
0xe9: {  	v30 =	vld [tilespmem:s31+$0x5820]  }
0xea: {  	v31 =	vld [tilespmem:s31+$0x5840]  }
0xeb: {  	v32 =	vld [tilespmem:s31+$0x5850]  }
0xec: {  	v33 =	vld [tilespmem:s31+$0x5860]  }
0xed: {  	v28 =	vmul.f32 v28, v24;
	v29 =	vmul.f32 v29, v24;
	v34 =	vld [tilespmem:s31+$0x5C00]  }
0xee: {  	v27 =	vmul.f32 v27, v24;
	v30 =	vmul.f32 v30, v24;
	v35 =	vld [tilespmem:s31+$0x5C20]  }
0xef: {  	v23 =	vadd.f32 v28, v23;
	v19 =	vadd.f32 v29, v19;
	v28 =	vmul.f32 v31, v24;
	v29 =	vld [tilespmem:s31+$0x5C30]  }
0xf0: {  	v22 =	vadd.f32 v27, v22;
	v21 =	vadd.f32 v30, v21;
	v27 =	vmul.f32 v32, v24;
	v30 =	vld [tilespmem:s31+$0x5C40]  }
0xf1: {  	s2 =	sadd.s32 $0x80, s2;
	s0 =	sadd.s32 $0x100, s0;
	v26 =	vmul.f32 v26, v24;
	[tilespmem:s31+$0x5800] =	vst v19;
	v20 =	vadd.f32 v28, v20;
	v19 =	vmul.f32 v33, v24;
	v28 =	vld [tilespmem:s31+$0x5C60]  }
0xf2: {  	s17 =	sand.u32 $0x1800, s0;
	s18 =	sand.u32 $0x380, s2;
	v25 =	vmul.f32 v25, v24;
	[tilespmem:s31+$0x5810] =	vst v23;
	v17 =	vadd.f32 v27, v17;
	v23 =	vmul.f32 v34, v24;
	v27 =	vld [tilespmem:s31+$0x3C60]  }
0xf3: {  	s17 =	sor.u32 s18, s17;
	v15 =	vadd.f32 v26, v15;
	[tilespmem:s31+$0x5820] =	vst v21;
	v16 =	vadd.f32 v19, v16;
	v21 =	vmul.f32 v35, v24;
	v26 =	vld [tilespmem:s31+$0x3C70]  }
0xf4: {  	v14 =	vadd.f32 v25, v14;
	v19 =	vld [tilespmem:s17+$0x3800];
	[tilespmem:s31+$0x5830] =	vst v22;
	v13 =	vadd.f32 v23, v13;
	v22 =	vmul.f32 v29, v24  }
0xf5: {  	v18 =	vmul.f32 v18, v24;
	v23 =	vld [tilespmem:s17+$0x3810];
	[tilespmem:s31+$0x5840] =	vst v20;
	v11 =	vadd.f32 v21, v11;
	v20 =	vmul.f32 v30, v24  }
0xf6: {  	v12 =	vmul.f32 v12, v24;
	v21 =	vld [tilespmem:s17+$0x3820];
	[tilespmem:s31+$0x5850] =	vst v17;
	v10 =	vadd.f32 v22, v10;
	v17 =	vmul.f32 v28, v24  }
0xf7: {  	v9 =	vadd.f32 v18, v9;
	v22 =	vld [tilespmem:s17+$0x3830];
	[tilespmem:s31+$0x5860] =	vst v16;
	v8 =	vadd.f32 v20, v8  }
0xf8: {  	v20 =	vld [tilespmem:s17+$0x3840];
	[tilespmem:s31+$0x5870] =	vst v15;
	v18 =	vadd.f32 v17, v27;
	v12 =	vadd.f32 v12, v26  }
0xf9: {  	v17 =	vld [tilespmem:s17+$0x3850];
	[tilespmem:s31+$0x5C00] =	vst v13  }
0xfa: {  	v16 =	vld [tilespmem:s17+$0x3860];
	[tilespmem:s31+$0x5C10] =	vst v14  }
0xfb: {  	v15 =	vld [tilespmem:s17+$0x3870];
	[tilespmem:s31+$0x5C20] =	vst v11  }
0xfc: {  	v13 =	vld [tilespmem:s17+$0x3C00];
	[tilespmem:s31+$0x5C30] =	vst v10  }
0xfd: {  	v14 =	vld [tilespmem:s17+$0x3C10];
	[tilespmem:s31+$0x5C40] =	vst v8  }
0xfe: {  	v11 =	vld [tilespmem:s17+$0x3C20];
	[tilespmem:s31+$0x5C50] =	vst v9  }
.Ltmp3:
0xff: {  	v10 =	vld [tilespmem:s17+$0x3C30];
	[tilespmem:s31+$0x5C60] =	vst v18;
	(pc) =	sbr.rel @p0 .LBB2_8-.Ltmp3, $4  }
0x100: {  	v8 =	vld [tilespmem:s17+$0x3C40];
	[tilespmem:s31+$0x5C70] =	vst v12;
	s31 =	smov.u32 s17  }
0x101: {  	v9 =	vld [tilespmem:s31+$0x3C50]  }
0x102: {  	v12 =	vld [tilespmem:s31+$0x5C70]  }
0x103: {  	v24 =	vmov s15;
	s15 =	sadd.s32 $0x1, s15;
	v18 =	vld [tilespmem:s31+$0x5C50]  }
0x104: {  	_ =	sdelay $0x3  }
0x105: {  	v24 =	vld.idx.msk [tilespmem:v24+s26+$0x0], $0xffff  }
0x106: {  	v25 =	vld [tilespmem:s31+$0x5800]  }
0x107: {  	v26 =	vld [tilespmem:s31+$0x5810]  }
0x108: {  	v28 =	vld [tilespmem:s31+$0x5820]  }
0x109: {  	v31 =	vld [tilespmem:s31+$0x5840]  }
0x10a: {  	v32 =	vld [tilespmem:s31+$0x5850]  }
0x10b: {  	v43 =	vld [tilespmem:s31+$0x5860];
	v25 =	vmul.f32 v25, v24  }
0x10c: {  	v29 =	vld [tilespmem:s31+$0x5870];
	v26 =	vmul.f32 v26, v24  }
0x10d: {  	v44 =	vld [tilespmem:s31+$0x5C00];
	v28 =	vmul.f32 v28, v24;
	v19 =	vadd.f32 v25, v19  }
0x10e: {  	v27 =	vld [tilespmem:s31+$0x5C10];
	v47 =	vmul.f32 v31, v24;
	v23 =	vadd.f32 v26, v23  }
0x10f: {  	v46 =	vld [tilespmem:s31+$0x5C20];
	v50 =	vmul.f32 v32, v24;
	v21 =	vadd.f32 v28, v21;
	[tilespmem:s31+$0x5800] =	vst v19  }
0x110: {  	v49 =	vld [tilespmem:s31+$0x5C30];
	v51 =	vmul.f32 v43, v24;
	v20 =	vadd.f32 v47, v20;
	[tilespmem:s31+$0x5810] =	vst v23  }
0x111: {  	v53 =	vld [tilespmem:s31+$0x5C40];
	v29 =	vmul.f32 v29, v24;
	v17 =	vadd.f32 v50, v17;
	[tilespmem:s31+$0x5820] =	vst v21  }
0x112: {  	v54 =	vmul.f32 v44, v24;
	v16 =	vadd.f32 v51, v16;
	[tilespmem:s31+$0x5840] =	vst v20  }
0x113: {  	v55 =	vld [tilespmem:s31+$0x5C60];
	v56 =	vmul.f32 v27, v24;
	v15 =	vadd.f32 v29, v15;
	[tilespmem:s31+$0x5850] =	vst v17  }
0x114: {  	v30 =	vld [tilespmem:s31+$0x5830];
	v57 =	vmul.f32 v46, v24;
	v13 =	vadd.f32 v54, v13;
	[tilespmem:s31+$0x5860] =	vst v16  }
0x115: {  	v48 =	vld [tilespmem:s31+$0x3C60];
	v58 =	vmul.f32 v49, v24;
	v14 =	vadd.f32 v56, v14;
	[tilespmem:s31+$0x5870] =	vst v15  }
0x116: {  	v59 =	vmul.f32 v53, v24;
	v11 =	vadd.f32 v57, v11;
	[tilespmem:s31+$0x5C00] =	vst v13  }
0x117: {  	v52 =	vld [tilespmem:s31+$0x3C70];
	v60 =	vmul.f32 v18, v24;
	v10 =	vadd.f32 v58, v10;
	[tilespmem:s31+$0x5C10] =	vst v14  }
0x118: {  	v61 =	vmul.f32 v55, v24;
	v8 =	vadd.f32 v59, v8;
	[tilespmem:s31+$0x5C20] =	vst v11  }
0x119: {  	v45 =	vmul.f32 v30, v24;
	v9 =	vadd.f32 v60, v9;
	[tilespmem:s31+$0x5C30] =	vst v10  }
0x11a: {  	v62 =	vmul.f32 v12, v24;
	v63 =	vadd.f32 v61, v48;
	[tilespmem:s31+$0x5C40] =	vst v8  }
0x11b: {  	v19 =	vadd.f32 v45, v22;
	[tilespmem:s31+$0x5C50] =	vst v9  }
0x11c: {  	v8 =	vadd.f32 v62, v52;
	[tilespmem:s31+$0x5C60] =	vst v63  }
0x11d: {  	[tilespmem:s31+$0x5830] =	vst v19  }
0x11e: {  	s30 =	sadd.s32 $0x1, s30;
	[tilespmem:s31+$0x5C70] =	vst v8  }
0x11f: {  	[hbm4b:s11+s3] =	stream.linear.scatter [tilespmem:s22], [sflag:$0x6], $0x1000, $0x38;
	[tilespmem:$0x7900] =	vst v63  }
0x120: {  	p0 =	sne.s32 s30, s12;
	_ =	swait.ge [sflag:s29], $0x1000  }
.Ltmp4:
0x121: {  	[sflag:s29] =	ssyncset.done $0x0;
	(pc) =	sbr.rel @p0 .LBB2_1-.Ltmp4, $4  }
0x122: {  	[sflag:s29] =	ssyncadd.s32 $0xFFFFF000  }
0x123: {  	_ =	swait.ge [sflag:s29], $0x1000  }
0x124: {  	[sflag:s29] =	ssyncset.done $0x0  }
0x125: {  	[sflag:s29] =	ssyncadd.s32 $0xFFFFF000  }
0x126: {  	_ =	sfence.sel $0x180000  }
0x127: {  	[bflag:$0x0] =	sbarrier.arrive $0xFFFF  }
0x128: {  	_ =	strace $0x90000047  }
0x129: {  	s0 =	stileid.u32;
	[bflag:$0x2] =	sbarrier.arrive $0xFFFF  }
0x12a: {  	p0 =	sne.s32 s0, $0x0;
	s0 =	rddreg [dreg:$0x5]  }
0x12b: {  	s0 =	sadd.s32 @!p0 $0x100000, s0  }
0x12c: {  	[sflag:s0] =	ssyncadd.tile.s32 @!p0 $0x1;
	_ =	shalt  }
.Lfunc_end2:
_tile_overlayer_lowered:
.L_overlay_start_2:
0x12d: {  	(tag) =	ssettag $0x2  }
0x12e: {  	s0 =	rddreg [dreg:$0x0];
	s2 =	stileid.u32  }
0x12f: {  	s1 =	rddreg [dreg:$0x1];
	p0 =	sne.s32 s2, $0x0  }
0x130: {  	s3 =	rddreg [dreg:$0x2];
	[bflag:$0x3] =	sbarrier.arrive $0xFFFF;
	s2 =	simm.s32 @!p0 $0x1C07  }
0x131: {  	[timem:s3], [sflag:s2] =	dma.local @!p0 [hbm:s0], s1  }
0x132: {  	s0 =	simm.s32 @!p0 $0x7  }
0x133: {  	_ =	swait.ge @!p0 [sflag:s0], s1  }
0x134: {  	s1 =	ssub.s32 @!p0 $0x0, s1;
	[sflag:s0] =	ssyncset.done @!p0 $0x0  }
0x135: {  	[sflag:s0] =	ssyncadd.s32 @!p0 s1  }
0x136: {  	[bflag:$0x3] =	sbarrier.arrive $0xFFFF  }
0x137: {  	_ =	shalt  }

</sc_bundles>
